<compile_context>
chip_gen: v7x
topology: tpu7x:2x2x1
jax: 0.10.2.dev20260603
libtpu: 0.0.44.dev20260713+nightly
codegen_flags: <defaults>
</compile_context>

<pallas_src>
import functools
import math

import jax
import jax.numpy as jnp
from jax import lax
from jax.experimental import pallas as pl
from jax.experimental.pallas import tpu as pltpu
from jax.experimental.pallas import tpu_sc as plsc

_FEATURES = 1024
_NUM_TAPE = 1024
_NUM_PER_STEP = 8
_THRESHOLD = 2.0
_KEYDIM = _FEATURES // 2
_K = int(_NUM_TAPE // _THRESHOLD)
_BATCH = 64
_NW = 32
_RPW = _BATCH // _NW
_NCH = _NUM_TAPE // 16
_I32MIN = jnp.int32(-2147483648)


def _scores_body(q_ref, mask_ref, keys_ref, masked_ref, e0_ref):
    c = 1.0 / math.sqrt(_KEYDIM)
    scores = jax.lax.dot_general(
        q_ref[...], keys_ref[...], (((1,), (1,)), ((), ())),
        preferred_element_type=jnp.float32)
    masked_ref[...] = scores - mask_ref[...] * 1e9
    logits = scores[0:1, :] * c
    e0_ref[...] = jnp.exp(logits - jnp.max(logits))


def _b16(cond):
    return jnp.broadcast_to(cond, (16,))


def _sc_body(masked_hbm, sel_hbm, buf_v, key_v, out_v):
    cid = lax.axis_index("c")
    sid = lax.axis_index("s")
    wid = sid * 2 + cid
    base = wid * _RPW
    pltpu.sync_copy(masked_hbm.at[pl.ds(base, _RPW)], buf_v)

    if True:
        for rr in range(_RPW):
            for ii in range(_NCH):
                out_v[rr, 16 * ii:16 * (ii + 1)] = buf_v[rr,
                                                         16 * ii:16 * (ii + 1)]
        pltpu.sync_copy(out_v, sel_hbm.at[pl.ds(base, _RPW)])
        return

    z16 = jnp.zeros((16,), jnp.int32)
    vmin = jnp.full((16,), _I32MIN, jnp.int32)

    def count4(pred):
        acc = [z16, z16, z16, z16]
        for i in range(_NCH):
            acc[i % 4] = acc[i % 4] + pred(i)
        return jnp.sum(acc[0] + acc[1] + acc[2] + acc[3])

    for r in range(_RPW):
        for i in range(_NCH):
            x = buf_v[r, 16 * i:16 * (i + 1)]
            xi = lax.bitcast_convert_type(x, jnp.int32)
            flip = lax.shift_right_arithmetic(xi, 31) & jnp.int32(0x7FFFFFFF)
            key_v[r, 16 * i:16 * (i + 1)] = xi ^ flip

        def kchunk(i):
            return key_v[r, 16 * i:16 * (i + 1)]

        def ge_chunk(c):
            return lambda i: jnp.where(kchunk(i) >= c, 1, 0).astype(jnp.int32)

        nn = count4(ge_chunk(z16))
        v1_0 = jnp.where(_b16(nn >= _K), z16, vmin)
        v2_0 = jnp.where(_b16(nn >= _NUM_PER_STEP), z16, vmin)
        n1_0 = jnp.where(nn >= _K, nn, jnp.int32(_NUM_TAPE))
        n2_0 = jnp.where(nn >= _NUM_PER_STEP, nn, jnp.int32(_NUM_TAPE))

        def bit_body(j, carry):
            v1, v2, n1, n2 = carry
            inc = lax.shift_left(jnp.int32(1), jnp.int32(30) - j)
            c1 = v1 + inc
            c2 = v2 + inc
            a1 = [z16, z16, z16, z16]
            a2 = [z16, z16, z16, z16]
            for i in range(_NCH):
                k = kchunk(i)
                a1[i % 4] = a1[i % 4] + jnp.where(k >= c1, 1, 0).astype(
                    jnp.int32)
                a2[i % 4] = a2[i % 4] + jnp.where(k >= c2, 1, 0).astype(
                    jnp.int32)
            cnt1 = jnp.sum(a1[0] + a1[1] + a1[2] + a1[3])
            cnt2 = jnp.sum(a2[0] + a2[1] + a2[2] + a2[3])
            take1 = cnt1 >= _K
            take2 = cnt2 >= _NUM_PER_STEP
            v1 = jnp.where(_b16(take1), c1, v1)
            v2 = jnp.where(_b16(take2), c2, v2)
            n1 = jnp.where(take1, cnt1, n1)
            n2 = jnp.where(take2, cnt2, n2)
            return v1, v2, n1, n2

        v1, v2, n1, n2 = lax.fori_loop(0, 31, bit_body,
                                       (v1_0, v2_0, n1_0, n2_0))

        def tie_bisect(kk, n, v):
            neq = count4(lambda i: jnp.where(kchunk(i) == v, 1, 0).astype(
                jnp.int32))
            need = kk - (n - neq)

            def bb(j, jb):
                cand = jb + lax.shift_left(jnp.int32(1), jnp.int32(10) - j)

                def hit(i):
                    lane = lax.iota(jnp.int32, 16) + jnp.int32(16 * i)
                    return jnp.where((kchunk(i) == v) & (lane < cand), 1,
                                     0).astype(jnp.int32)

                return jnp.where(count4(hit) < need, cand, jb)

            return lax.fori_loop(0, 11, bb, jnp.int32(0))

        jb1 = lax.cond(n1 > _K, lambda: tie_bisect(jnp.int32(_K), n1, v1),
                       lambda: jnp.int32(_NUM_TAPE - 1))
        jb2 = lax.cond(n2 > _NUM_PER_STEP,
                       lambda: tie_bisect(jnp.int32(_NUM_PER_STEP), n2, v2),
                       lambda: jnp.int32(_NUM_TAPE - 1))

        for i in range(_NCH):
            k = kchunk(i)
            lane = lax.iota(jnp.int32, 16) + jnp.int32(16 * i)
            s1 = (k > v1) | ((k == v1) & (lane <= jb1))
            s2 = (k > v2) | ((k == v2) & (lane <= jb2))
            val = (jnp.where(s1, 1.0, 0.0).astype(jnp.float32)
                   + jnp.where(s2, 1.0, 0.0).astype(jnp.float32))
            out_v[r, 16 * i:16 * (i + 1)] = val

    pltpu.sync_copy(out_v, sel_hbm.at[pl.ds(base, _RPW)])


@functools.cache
def _sc_select():
    return pl.kernel(
        _sc_body,
        out_type=jax.ShapeDtypeStruct((_BATCH, _NUM_TAPE), jnp.float32),
        mesh=plsc.VectorSubcoreMesh(core_axis_name="c",
                                    subcore_axis_name="s"),
        compiler_params=pltpu.CompilerParams(needs_layout_passes=False),
        scratch_types=[
            pltpu.VMEM((_RPW, _NUM_TAPE), jnp.float32),
            pltpu.VMEM((_RPW, _NUM_TAPE), jnp.int32),
            pltpu.VMEM((_RPW, _NUM_TAPE), jnp.float32),
        ],
    )


def _combine_body(sel_ref, e0_ref, hp_ref, rem_ref, nup_ref, mask_ref,
                  tape_ref, qout_ref, hpout_ref, remout_ref, nupout_ref,
                  maskout_ref, tokout_ref):
    sel = sel_ref[...]
    in512 = sel >= 0.5
    in8 = sel >= 1.5
    e = jnp.where(in512, e0_ref[...], 0.0)
    z = jnp.sum(e, axis=1, keepdims=True)
    w = e / z
    sum_w = jnp.sum(jnp.where(in8, w, 0.0), axis=1, keepdims=True)
    entropy = 1.0 - jnp.sum(w * w, axis=1, keepdims=True)

    hp = hp_ref[...]
    still0 = (hp < _THRESHOLD).astype(jnp.float32)
    new_halted = (hp + sum_w >= _THRESHOLD).astype(jnp.float32) * still0
    still = still0 - new_halted
    remout_ref[...] = rem_ref[...] + (new_halted + still) * entropy
    hp1 = hp + sum_w * still
    hpout_ref[...] = hp1 + new_halted * (_THRESHOLD - hp1)
    nupout_ref[...] = nup_ref[...] + still + new_halted

    tok = jax.lax.dot_general(
        w, tape_ref[...], (((1,), (0,)), ((), ())),
        preferred_element_type=jnp.float32)
    tokout_ref[...] = tok
    qout_ref[...] = tok[:, :_KEYDIM]
    maskout_ref[...] = mask_ref[...] + in512.astype(jnp.float32)


@jax.jit
def kernel(query, halting_prob, remainders, n_updates, score_mask,
           tape_tokens):
    batch = query.shape[0]
    col = lambda x: x.reshape(batch, 1)
    f32 = jnp.float32

    masked, e0 = pl.pallas_call(
        _scores_body,
        grid=(1,),
        in_specs=[
            pl.BlockSpec((batch, _KEYDIM), lambda i: (0, 0)),
            pl.BlockSpec((batch, _NUM_TAPE), lambda i: (0, 0)),
            pl.BlockSpec((_NUM_TAPE, _KEYDIM), lambda i: (0, 0)),
        ],
        out_specs=(
            pl.BlockSpec((batch, _NUM_TAPE), lambda i: (0, 0)),
            pl.BlockSpec((1, _NUM_TAPE), lambda i: (0, 0)),
        ),
        out_shape=(
            jax.ShapeDtypeStruct((batch, _NUM_TAPE), f32),
            jax.ShapeDtypeStruct((1, _NUM_TAPE), f32),
        ),
    )(query, score_mask, tape_tokens)

    sel = _sc_select()(masked)

    outs = pl.pallas_call(
        _combine_body,
        out_shape=(
            jax.ShapeDtypeStruct((batch, _KEYDIM), f32),
            jax.ShapeDtypeStruct((batch, 1), f32),
            jax.ShapeDtypeStruct((batch, 1), f32),
            jax.ShapeDtypeStruct((batch, 1), f32),
            jax.ShapeDtypeStruct((batch, _NUM_TAPE), f32),
            jax.ShapeDtypeStruct((batch, _NUM_TAPE), f32),
        ),
    )(sel, e0, col(halting_prob), col(remainders), col(n_updates),
      score_mask, tape_tokens)

    q_out, hp_out, rem_out, nup_out, mask_out, tok_out = outs
    return (q_out, hp_out.reshape(batch), rem_out.reshape(batch),
            nup_out.reshape(batch), mask_out,
            tok_out.reshape(batch, 1, _NUM_TAPE))

# --- scband reference (transcript-rebuilt; emitter-appended) ---
"""Pipeline reference for scband-actfunction-23811298689464 (READ-ONLY COPY).

The authoritative reference and input builder live on the scoring server;
editing this copy changes nothing except your own understanding.
"""

import jax, jax.numpy as jnp
import numpy as np

FEATURES = 1024
SPLIT_TT = 2
NUM_TAPE_TOKENS = 1024
NUM_TOKEN_PER_STEP = 8
THRESHOLD = 2.0
BATCH = 64


def setup_inputs(seed: int = 0):
    key = jax.random.key(seed)
    k1, k2 = jax.random.split(key)
    query = jax.random.normal(k1, (BATCH, FEATURES // SPLIT_TT), dtype=jnp.float32)
    halting_prob = jnp.zeros((BATCH,), dtype=jnp.float32)
    remainders = jnp.zeros((BATCH,), dtype=jnp.float32)
    n_updates = jnp.zeros((BATCH,), dtype=jnp.float32)
    score_mask = jnp.zeros((BATCH, NUM_TAPE_TOKENS), dtype=jnp.float32)
    tape_tokens = jax.random.normal(k2, (NUM_TAPE_TOKENS, FEATURES), dtype=jnp.float32) * 0.02
    return {"query": query, "halting_prob": halting_prob, "remainders": remainders,
            "n_updates": n_updates, "score_mask": score_mask, "tape_tokens": tape_tokens}


def reference(query, halting_prob, remainders, n_updates, score_mask, tape_tokens):
    # Faithful translation of ACTFunction.act_step with bank_type='learn',
    # act_loss_type='entropy', complex_query=False.
    threshold = THRESHOLD
    still_running = jnp.less(halting_prob, threshold).astype(jnp.float32)
    tape_token_keys = tape_tokens[:, : FEATURES // SPLIT_TT]
    scores = jnp.dot(query, tape_token_keys.T)
    k = int(NUM_TAPE_TOKENS // threshold)
    topk_index_inpool = jax.lax.top_k(scores - score_mask * 1000000000.0, k)[1]
    # NOTE: original uses jnp.take without axis (flattened gather) - kept faithfully.
    weights = jnp.take(scores, topk_index_inpool)
    weights = jax.nn.softmax(weights / query.shape[-1] ** 0.5)
    entropy = 1.0 - jnp.sum(weights ** 2, axis=-1)
    sum_weights = jnp.sum(weights[:, :NUM_TOKEN_PER_STEP], axis=-1)
    new_halted = jnp.greater_equal(halting_prob + sum_weights, threshold).astype(jnp.float32) * still_running
    still_running = still_running - new_halted
    remainders = remainders + (new_halted + still_running) * entropy
    halting_prob = halting_prob + sum_weights * still_running
    halting_prob = halting_prob + new_halted * (threshold - halting_prob)
    n_updates = n_updates + still_running + new_halted
    token_selected_wo_merge = jnp.take(tape_tokens, topk_index_inpool, axis=0)
    token_selected = token_selected_wo_merge * jnp.expand_dims(weights, -1)
    token_selected = jnp.sum(token_selected, axis=-2, keepdims=True)
    score_mask = score_mask + jnp.sum(jax.nn.one_hot(topk_index_inpool, tape_tokens.shape[0]), axis=1)
    token_selected_keys = token_selected[:, :, : FEATURES // SPLIT_TT]
    query = jnp.mean(token_selected_keys, axis=1)
    return (query, halting_prob, remainders, n_updates, score_mask, token_selected)

if __name__ == "__main__":
    import jax
    _d = setup_inputs()
    print(jax.jit(kernel)(*tuple(_d.values())))

</pallas_src>

<mosaic_0001>
#map = affine_map<(d0, d1) -> (0, 0)>
module attributes {stable_mosaic.version = 14 : i64} {
  func.func @_sc_body(%arg0: i32, %arg1: i32, %arg2: memref<64x1024xf32, #tpu.memory_space<hbm>>, %arg3: memref<64x1024xf32, #tpu.memory_space<hbm>>, %arg4: memref<2x1024xf32, #tpu.memory_space<vmem>>, %arg5: memref<2x1024xi32, #tpu.memory_space<vmem>>, %arg6: memref<2x1024xf32, #tpu.memory_space<vmem>>) attributes {dimension_semantics = [#tpu.dimension_semantics<core_parallel>, #tpu.dimension_semantics<subcore_parallel>], iteration_bounds = array<i64: 2, 16>, scalar_prefetch = 0 : i64, scratch_operands = 3 : i64, tpu.core_type = #tpu.core_type<sc_vector_subcore>, window_params = [{transform_indices = #map}, {transform_indices = #map}]} {
    %mul3A = arith.constant 2 : i32
    %mul3A_0 = arith.muli %arg1, %mul3A : i32
    %add3A = arith.addi %mul3A_0, %arg0 : i32
    %mul3A_1 = arith.constant 2 : i32
    %mul3A_2 = arith.muli %add3A, %mul3A_1 : i32
    "tpu.region"() ({
      %run_scoped3A = tpu.sem_alloc : memref<!tpu.dma_semaphore, #tpu.memory_space<semaphore_mem>>
      %dma_start3A = arith.constant 0 : i32
      %dma_start3A_1025 = tpu.memref_slice %arg2[%mul3A_2, %dma_start3A] : memref<64x1024xf32, #tpu.memory_space<hbm>> -> memref<2x1024xf32, #tpu.memory_space<hbm>>
      %dma_start3A_1026 = arith.constant 0 : i32
      %dma_start3A_1027 = tpu.memref_slice %arg2[%mul3A_2, %dma_start3A_1026] : memref<64x1024xf32, #tpu.memory_space<hbm>> -> memref<2x1024xf32, #tpu.memory_space<hbm>>
      tpu.enqueue_dma source(%dma_start3A_1027 : memref<2x1024xf32, #tpu.memory_space<hbm>>) target(%arg4 : memref<2x1024xf32, #tpu.memory_space<vmem>>) target_semaphore(%run_scoped3A : memref<!tpu.dma_semaphore, #tpu.memory_space<semaphore_mem>>)
      %dma_wait3A = arith.constant 0 : i32
      %dma_wait3A_1028 = tpu.memref_slice %arg2[%mul3A_2, %dma_wait3A] : memref<64x1024xf32, #tpu.memory_space<hbm>> -> memref<2x1024xf32, #tpu.memory_space<hbm>>
      %dma_wait3A_1029 = arith.constant 0 : i32
      %dma_wait3A_1030 = tpu.memref_slice %arg2[%mul3A_2, %dma_wait3A_1029] : memref<64x1024xf32, #tpu.memory_space<hbm>> -> memref<2x1024xf32, #tpu.memory_space<hbm>>
      tpu.wait_dma2 semaphore(%run_scoped3A : memref<!tpu.dma_semaphore, #tpu.memory_space<semaphore_mem>>) src(%dma_wait3A_1030 : memref<2x1024xf32, #tpu.memory_space<hbm>>) dst(%arg4 : memref<2x1024xf32, #tpu.memory_space<vmem>>)
      tpu.yield
    }) : () -> ()
    %get3A = arith.constant 0 : i32
    %get3A_3 = arith.index_cast %get3A : i32 to index
    %get3A_4 = arith.constant 0 : index
    %get3A_5 = tpu.vector_load %arg4[%get3A_3, %get3A_4] {strides = array<i32>} : memref<2x1024xf32, #tpu.memory_space<vmem>>, vector<16xf32>,
    %swap3A = arith.constant 0 : i32
    %swap3A_6 = arith.index_cast %swap3A : i32 to index
    %swap3A_7 = arith.constant 0 : index
    %swap3A_8 = tpu.vector_load %arg6[%swap3A_6, %swap3A_7] {strides = array<i32>} : memref<2x1024xf32, #tpu.memory_space<vmem>>, vector<16xf32>,
    tpu.vector_store %arg6[%swap3A_6, %swap3A_7], %get3A_5 {strides = array<i32>} : memref<2x1024xf32, #tpu.memory_space<vmem>>, vector<16xf32>,
    %get3A_9 = arith.constant 0 : i32
    %get3A_10 = arith.index_cast %get3A_9 : i32 to index
    %get3A_11 = arith.constant 16 : index
    %get3A_12 = tpu.vector_load %arg4[%get3A_10, %get3A_11] {strides = array<i32>} : memref<2x1024xf32, #tpu.memory_space<vmem>>, vector<16xf32>,
    %swap3A_13 = arith.constant 0 : i32
    %swap3A_14 = arith.index_cast %swap3A_13 : i32 to index
    %swap3A_15 = arith.constant 16 : index
    %swap3A_16 = tpu.vector_load %arg6[%swap3A_14, %swap3A_15] {strides = array<i32>} : memref<2x1024xf32, #tpu.memory_space<vmem>>, vector<16xf32>,
    tpu.vector_store %arg6[%swap3A_14, %swap3A_15], %get3A_12 {strides = array<i32>} : memref<2x1024xf32, #tpu.memory_space<vmem>>, vector<16xf32>,
    %get3A_17 = arith.constant 0 : i32
    %get3A_18 = arith.index_cast %get3A_17 : i32 to index
    %get3A_19 = arith.constant 32 : index
    %get3A_20 = tpu.vector_load %arg4[%get3A_18, %get3A_19] {strides = array<i32>} : memref<2x1024xf32, #tpu.memory_space<vmem>>, vector<16xf32>,
    %swap3A_21 = arith.constant 0 : i32
    %swap3A_22 = arith.index_cast %swap3A_21 : i32 to index
    %swap3A_23 = arith.constant 32 : index
    %swap3A_24 = tpu.vector_load %arg6[%swap3A_22, %swap3A_23] {strides = array<i32>} : memref<2x1024xf32, #tpu.memory_space<vmem>>, vector<16xf32>,
    tpu.vector_store %arg6[%swap3A_22, %swap3A_23], %get3A_20 {strides = array<i32>} : memref<2x1024xf32, #tpu.memory_space<vmem>>, vector<16xf32>,
    %get3A_25 = arith.constant 0 : i32
    %get3A_26 = arith.index_cast %get3A_25 : i32 to index
    %get3A_27 = arith.constant 48 : index
    %get3A_28 = tpu.vector_load %arg4[%get3A_26, %get3A_27] {strides = array<i32>} : memref<2x1024xf32, #tpu.memory_space<vmem>>, vector<16xf32>,
    %swap3A_29 = arith.constant 0 : i32
    %swap3A_30 = arith.index_cast %swap3A_29 : i32 to index
    %swap3A_31 = arith.constant 48 : index
    %swap3A_32 = tpu.vector_load %arg6[%swap3A_30, %swap3A_31] {strides = array<i32>} : memref<2x1024xf32, #tpu.memory_space<vmem>>, vector<16xf32>,
    tpu.vector_store %arg6[%swap3A_30, %swap3A_31], %get3A_28 {strides = array<i32>} : memref<2x1024xf32, #tpu.memory_space<vmem>>, vector<16xf32>,
    %get3A_33 = arith.constant 0 : i32
    %get3A_34 = arith.index_cast %get3A_33 : i32 to index
    %get3A_35 = arith.constant 64 : index
    %get3A_36 = tpu.vector_load %arg4[%get3A_34, %get3A_35] {strides = array<i32>} : memref<2x1024xf32, #tpu.memory_space<vmem>>, vector<16xf32>,
    %swap3A_37 = arith.constant 0 : i32
    %swap3A_38 = arith.index_cast %swap3A_37 : i32 to index
    %swap3A_39 = arith.constant 64 : index
    %swap3A_40 = tpu.vector_load %arg6[%swap3A_38, %swap3A_39] {strides = array<i32>} : memref<2x1024xf32, #tpu.memory_space<vmem>>, vector<16xf32>,
    tpu.vector_store %arg6[%swap3A_38, %swap3A_39], %get3A_36 {strides = array<i32>} : memref<2x1024xf32, #tpu.memory_space<vmem>>, vector<16xf32>,
    %get3A_41 = arith.constant 0 : i32
    %get3A_42 = arith.index_cast %get3A_41 : i32 to index
    %get3A_43 = arith.constant 80 : index
    %get3A_44 = tpu.vector_load %arg4[%get3A_42, %get3A_43] {strides = array<i32>} : memref<2x1024xf32, #tpu.memory_space<vmem>>, vector<16xf32>,
    %swap3A_45 = arith.constant 0 : i32
    %swap3A_46 = arith.index_cast %swap3A_45 : i32 to index
    %swap3A_47 = arith.constant 80 : index
    %swap3A_48 = tpu.vector_load %arg6[%swap3A_46, %swap3A_47] {strides = array<i32>} : memref<2x1024xf32, #tpu.memory_space<vmem>>, vector<16xf32>,
    tpu.vector_store %arg6[%swap3A_46, %swap3A_47], %get3A_44 {strides = array<i32>} : memref<2x1024xf32, #tpu.memory_space<vmem>>, vector<16xf32>,
    %get3A_49 = arith.constant 0 : i32
    %get3A_50 = arith.index_cast %get3A_49 : i32 to index
    %get3A_51 = arith.constant 96 : index
    %get3A_52 = tpu.vector_load %arg4[%get3A_50, %get3A_51] {strides = array<i32>} : memref<2x1024xf32, #tpu.memory_space<vmem>>, vector<16xf32>,
    %swap3A_53 = arith.constant 0 : i32
    %swap3A_54 = arith.index_cast %swap3A_53 : i32 to index
    %swap3A_55 = arith.constant 96 : index
    %swap3A_56 = tpu.vector_load %arg6[%swap3A_54, %swap3A_55] {strides = array<i32>} : memref<2x1024xf32, #tpu.memory_space<vmem>>, vector<16xf32>,
    tpu.vector_store %arg6[%swap3A_54, %swap3A_55], %get3A_52 {strides = array<i32>} : memref<2x1024xf32, #tpu.memory_space<vmem>>, vector<16xf32>,
    %get3A_57 = arith.constant 0 : i32
    %get3A_58 = arith.index_cast %get3A_57 : i32 to index
    %get3A_59 = arith.constant 112 : index
    %get3A_60 = tpu.vector_load %arg4[%get3A_58, %get3A_59] {strides = array<i32>} : memref<2x1024xf32, #tpu.memory_space<vmem>>, vector<16xf32>,
    %swap3A_61 = arith.constant 0 : i32
    %swap3A_62 = arith.index_cast %swap3A_61 : i32 to index
    %swap3A_63 = arith.constant 112 : index
    %swap3A_64 = tpu.vector_load %arg6[%swap3A_62, %swap3A_63] {strides = array<i32>} : memref<2x1024xf32, #tpu.memory_space<vmem>>, vector<16xf32>,
    tpu.vector_store %arg6[%swap3A_62, %swap3A_63], %get3A_60 {strides = array<i32>} : memref<2x1024xf32, #tpu.memory_space<vmem>>, vector<16xf32>,
    %get3A_65 = arith.constant 0 : i32
    %get3A_66 = arith.index_cast %get3A_65 : i32 to index
    %get3A_67 = arith.constant 128 : index
    %get3A_68 = tpu.vector_load %arg4[%get3A_66, %get3A_67] {strides = array<i32>} : memref<2x1024xf32, #tpu.memory_space<vmem>>, vector<16xf32>,
    %swap3A_69 = arith.constant 0 : i32
    %swap3A_70 = arith.index_cast %swap3A_69 : i32 to index
    %swap3A_71 = arith.constant 128 : index
    %swap3A_72 = tpu.vector_load %arg6[%swap3A_70, %swap3A_71] {strides = array<i32>} : memref<2x1024xf32, #tpu.memory_space<vmem>>, vector<16xf32>,
    tpu.vector_store %arg6[%swap3A_70, %swap3A_71], %get3A_68 {strides = array<i32>} : memref<2x1024xf32, #tpu.memory_space<vmem>>, vector<16xf32>,
    %get3A_73 = arith.constant 0 : i32
    %get3A_74 = arith.index_cast %get3A_73 : i32 to index
    %get3A_75 = arith.constant 144 : index
    %get3A_76 = tpu.vector_load %arg4[%get3A_74, %get3A_75] {strides = array<i32>} : memref<2x1024xf32, #tpu.memory_space<vmem>>, vector<16xf32>,
    %swap3A_77 = arith.constant 0 : i32
    %swap3A_78 = arith.index_cast %swap3A_77 : i32 to index
    %swap3A_79 = arith.constant 144 : index
    %swap3A_80 = tpu.vector_load %arg6[%swap3A_78, %swap3A_79] {strides = array<i32>} : memref<2x1024xf32, #tpu.memory_space<vmem>>, vector<16xf32>,
    tpu.vector_store %arg6[%swap3A_78, %swap3A_79], %get3A_76 {strides = array<i32>} : memref<2x1024xf32, #tpu.memory_space<vmem>>, vector<16xf32>,
    %get3A_81 = arith.constant 0 : i32
    %get3A_82 = arith.index_cast %get3A_81 : i32 to index
    %get3A_83 = arith.constant 160 : index
    %get3A_84 = tpu.vector_load %arg4[%get3A_82, %get3A_83] {strides = array<i32>} : memref<2x1024xf32, #tpu.memory_space<vmem>>, vector<16xf32>,
    %swap3A_85 = arith.constant 0 : i32
    %swap3A_86 = arith.index_cast %swap3A_85 : i32 to index
    %swap3A_87 = arith.constant 160 : index
    %swap3A_88 = tpu.vector_load %arg6[%swap3A_86, %swap3A_87] {strides = array<i32>} : memref<2x1024xf32, #tpu.memory_space<vmem>>, vector<16xf32>,
    tpu.vector_store %arg6[%swap3A_86, %swap3A_87], %get3A_84 {strides = array<i32>} : memref<2x1024xf32, #tpu.memory_space<vmem>>, vector<16xf32>,
    %get3A_89 = arith.constant 0 : i32
    %get3A_90 = arith.index_cast %get3A_89 : i32 to index
    %get3A_91 = arith.constant 176 : index
    %get3A_92 = tpu.vector_load %arg4[%get3A_90, %get3A_91] {strides = array<i32>} : memref<2x1024xf32, #tpu.memory_space<vmem>>, vector<16xf32>,
    %swap3A_93 = arith.constant 0 : i32
    %swap3A_94 = arith.index_cast %swap3A_93 : i32 to index
    %swap3A_95 = arith.constant 176 : index
    %swap3A_96 = tpu.vector_load %arg6[%swap3A_94, %swap3A_95] {strides = array<i32>} : memref<2x1024xf32, #tpu.memory_space<vmem>>, vector<16xf32>,
    tpu.vector_store %arg6[%swap3A_94, %swap3A_95], %get3A_92 {strides = array<i32>} : memref<2x1024xf32, #tpu.memory_space<vmem>>, vector<16xf32>,
    %get3A_97 = arith.constant 0 : i32
    %get3A_98 = arith.index_cast %get3A_97 : i32 to index
    %get3A_99 = arith.constant 192 : index
    %get3A_100 = tpu.vector_load %arg4[%get3A_98, %get3A_99] {strides = array<i32>} : memref<2x1024xf32, #tpu.memory_space<vmem>>, vector<16xf32>,
    %swap3A_101 = arith.constant 0 : i32
    %swap3A_102 = arith.index_cast %swap3A_101 : i32 to index
    %swap3A_103 = arith.constant 192 : index
    %swap3A_104 = tpu.vector_load %arg6[%swap3A_102, %swap3A_103] {strides = array<i32>} : memref<2x1024xf32, #tpu.memory_space<vmem>>, vector<16xf32>,
    tpu.vector_store %arg6[%swap3A_102, %swap3A_103], %get3A_100 {strides = array<i32>} : memref<2x1024xf32, #tpu.memory_space<vmem>>, vector<16xf32>,
    %get3A_105 = arith.constant 0 : i32
    %get3A_106 = arith.index_cast %get3A_105 : i32 to index
    %get3A_107 = arith.constant 208 : index
    %get3A_108 = tpu.vector_load %arg4[%get3A_106, %get3A_107] {strides = array<i32>} : memref<2x1024xf32, #tpu.memory_space<vmem>>, vector<16xf32>,
    %swap3A_109 = arith.constant 0 : i32
    %swap3A_110 = arith.index_cast %swap3A_109 : i32 to index
    %swap3A_111 = arith.constant 208 : index
    %swap3A_112 = tpu.vector_load %arg6[%swap3A_110, %swap3A_111] {strides = array<i32>} : memref<2x1024xf32, #tpu.memory_space<vmem>>, vector<16xf32>,
    tpu.vector_store %arg6[%swap3A_110, %swap3A_111], %get3A_108 {strides = array<i32>} : memref<2x1024xf32, #tpu.memory_space<vmem>>, vector<16xf32>,
    %get3A_113 = arith.constant 0 : i32
    %get3A_114 = arith.index_cast %get3A_113 : i32 to index
    %get3A_115 = arith.constant 224 : index
    %get3A_116 = tpu.vector_load %arg4[%get3A_114, %get3A_115] {strides = array<i32>} : memref<2x1024xf32, #tpu.memory_space<vmem>>, vector<16xf32>,
    %swap3A_117 = arith.constant 0 : i32
    %swap3A_118 = arith.index_cast %swap3A_117 : i32 to index
    %swap3A_119 = arith.constant 224 : index
    %swap3A_120 = tpu.vector_load %arg6[%swap3A_118, %swap3A_119] {strides = array<i32>} : memref<2x1024xf32, #tpu.memory_space<vmem>>, vector<16xf32>,
    tpu.vector_store %arg6[%swap3A_118, %swap3A_119], %get3A_116 {strides = array<i32>} : memref<2x1024xf32, #tpu.memory_space<vmem>>, vector<16xf32>,
    %get3A_121 = arith.constant 0 : i32
    %get3A_122 = arith.index_cast %get3A_121 : i32 to index
    %get3A_123 = arith.constant 240 : index
    %get3A_124 = tpu.vector_load %arg4[%get3A_122, %get3A_123] {strides = array<i32>} : memref<2x1024xf32, #tpu.memory_space<vmem>>, vector<16xf32>,
    %swap3A_125 = arith.constant 0 : i32
    %swap3A_126 = arith.index_cast %swap3A_125 : i32 to index
    %swap3A_127 = arith.constant 240 : index
    %swap3A_128 = tpu.vector_load %arg6[%swap3A_126, %swap3A_127] {strides = array<i32>} : memref<2x1024xf32, #tpu.memory_space<vmem>>, vector<16xf32>,
    tpu.vector_store %arg6[%swap3A_126, %swap3A_127], %get3A_124 {strides = array<i32>} : memref<2x1024xf32, #tpu.memory_space<vmem>>, vector<16xf32>,
    %get3A_129 = arith.constant 0 : i32
    %get3A_130 = arith.index_cast %get3A_129 : i32 to index
    %get3A_131 = arith.constant 256 : index
    %get3A_132 = tpu.vector_load %arg4[%get3A_130, %get3A_131] {strides = array<i32>} : memref<2x1024xf32, #tpu.memory_space<vmem>>, vector<16xf32>,
    %swap3A_133 = arith.constant 0 : i32
    %swap3A_134 = arith.index_cast %swap3A_133 : i32 to index
    %swap3A_135 = arith.constant 256 : index
    %swap3A_136 = tpu.vector_load %arg6[%swap3A_134, %swap3A_135] {strides = array<i32>} : memref<2x1024xf32, #tpu.memory_space<vmem>>, vector<16xf32>,
    tpu.vector_store %arg6[%swap3A_134, %swap3A_135], %get3A_132 {strides = array<i32>} : memref<2x1024xf32, #tpu.memory_space<vmem>>, vector<16xf32>,
    %get3A_137 = arith.constant 0 : i32
    %get3A_138 = arith.index_cast %get3A_137 : i32 to index
    %get3A_139 = arith.constant 272 : index
    %get3A_140 = tpu.vector_load %arg4[%get3A_138, %get3A_139] {strides = array<i32>} : memref<2x1024xf32, #tpu.memory_space<vmem>>, vector<16xf32>,
    %swap3A_141 = arith.constant 0 : i32
    %swap3A_142 = arith.index_cast %swap3A_141 : i32 to index
    %swap3A_143 = arith.constant 272 : index
    %swap3A_144 = tpu.vector_load %arg6[%swap3A_142, %swap3A_143] {strides = array<i32>} : memref<2x1024xf32, #tpu.memory_space<vmem>>, vector<16xf32>,
    tpu.vector_store %arg6[%swap3A_142, %swap3A_143], %get3A_140 {strides = array<i32>} : memref<2x1024xf32, #tpu.memory_space<vmem>>, vector<16xf32>,
    %get3A_145 = arith.constant 0 : i32
    %get3A_146 = arith.index_cast %get3A_145 : i32 to index
    %get3A_147 = arith.constant 288 : index
    %get3A_148 = tpu.vector_load %arg4[%get3A_146, %get3A_147] {strides = array<i32>} : memref<2x1024xf32, #tpu.memory_space<vmem>>, vector<16xf32>,
    %swap3A_149 = arith.constant 0 : i32
    %swap3A_150 = arith.index_cast %swap3A_149 : i32 to index
    %swap3A_151 = arith.constant 288 : index
    %swap3A_152 = tpu.vector_load %arg6[%swap3A_150, %swap3A_151] {strides = array<i32>} : memref<2x1024xf32, #tpu.memory_space<vmem>>, vector<16xf32>,
    tpu.vector_store %arg6[%swap3A_150, %swap3A_151], %get3A_148 {strides = array<i32>} : memref<2x1024xf32, #tpu.memory_space<vmem>>, vector<16xf32>,
    %get3A_153 = arith.constant 0 : i32
    %get3A_154 = arith.index_cast %get3A_153 : i32 to index
    %get3A_155 = arith.constant 304 : index
    %get3A_156 = tpu.vector_load %arg4[%get3A_154, %get3A_155] {strides = array<i32>} : memref<2x1024xf32, #tpu.memory_space<vmem>>, vector<16xf32>,
    %swap3A_157 = arith.constant 0 : i32
    %swap3A_158 = arith.index_cast %swap3A_157 : i32 to index
    %swap3A_159 = arith.constant 304 : index
    %swap3A_160 = tpu.vector_load %arg6[%swap3A_158, %swap3A_159] {strides = array<i32>} : memref<2x1024xf32, #tpu.memory_space<vmem>>, vector<16xf32>,
    tpu.vector_store %arg6[%swap3A_158, %swap3A_159], %get3A_156 {strides = array<i32>} : memref<2x1024xf32, #tpu.memory_space<vmem>>, vector<16xf32>,
    %get3A_161 = arith.constant 0 : i32
    %get3A_162 = arith.index_cast %get3A_161 : i32 to index
    %get3A_163 = arith.constant 320 : index
    %get3A_164 = tpu.vector_load %arg4[%get3A_162, %get3A_163] {strides = array<i32>} : memref<2x1024xf32, #tpu.memory_space<vmem>>, vector<16xf32>,
    %swap3A_165 = arith.constant 0 : i32
    %swap3A_166 = arith.index_cast %swap3A_165 : i32 to index
    %swap3A_167 = arith.constant 320 : index
    %swap3A_168 = tpu.vector_load %arg6[%swap3A_166, %swap3A_167] {strides = array<i32>} : memref<2x1024xf32, #tpu.memory_space<vmem>>, vector<16xf32>,
    tpu.vector_store %arg6[%swap3A_166, %swap3A_167], %get3A_164 {strides = array<i32>} : memref<2x1024xf32, #tpu.memory_space<vmem>>, vector<16xf32>,
    %get3A_169 = arith.constant 0 : i32
    %get3A_170 = arith.index_cast %get3A_169 : i32 to index
    %get3A_171 = arith.constant 336 : index
    %get3A_172 = tpu.vector_load %arg4[%get3A_170, %get3A_171] {strides = array<i32>} : memref<2x1024xf32, #tpu.memory_space<vmem>>, vector<16xf32>,
    %swap3A_173 = arith.constant 0 : i32
    %swap3A_174 = arith.index_cast %swap3A_173 : i32 to index
    %swap3A_175 = arith.constant 336 : index
    %swap3A_176 = tpu.vector_load %arg6[%swap3A_174, %swap3A_175] {strides = array<i32>} : memref<2x1024xf32, #tpu.memory_space<vmem>>, vector<16xf32>,
    tpu.vector_store %arg6[%swap3A_174, %swap3A_175], %get3A_172 {strides = array<i32>} : memref<2x1024xf32, #tpu.memory_space<vmem>>, vector<16xf32>,
    %get3A_177 = arith.constant 0 : i32
    %get3A_178 = arith.index_cast %get3A_177 : i32 to index
    %get3A_179 = arith.constant 352 : index
    %get3A_180 = tpu.vector_load %arg4[%get3A_178, %get3A_179] {strides = array<i32>} : memref<2x1024xf32, #tpu.memory_space<vmem>>, vector<16xf32>,
    %swap3A_181 = arith.constant 0 : i32
    %swap3A_182 = arith.index_cast %swap3A_181 : i32 to index
    %swap3A_183 = arith.constant 352 : index
    %swap3A_184 = tpu.vector_load %arg6[%swap3A_182, %swap3A_183] {strides = array<i32>} : memref<2x1024xf32, #tpu.memory_space<vmem>>, vector<16xf32>,
    tpu.vector_store %arg6[%swap3A_182, %swap3A_183], %get3A_180 {strides = array<i32>} : memref<2x1024xf32, #tpu.memory_space<vmem>>, vector<16xf32>,
    %get3A_185 = arith.constant 0 : i32
    %get3A_186 = arith.index_cast %get3A_185 : i32 to index
    %get3A_187 = arith.constant 368 : index
    %get3A_188 = tpu.vector_load %arg4[%get3A_186, %get3A_187] {strides = array<i32>} : memref<2x1024xf32, #tpu.memory_space<vmem>>, vector<16xf32>,
    %swap3A_189 = arith.constant 0 : i32
    %swap3A_190 = arith.index_cast %swap3A_189 : i32 to index
    %swap3A_191 = arith.constant 368 : index
    %swap3A_192 = tpu.vector_load %arg6[%swap3A_190, %swap3A_191] {strides = array<i32>} : memref<2x1024xf32, #tpu.memory_space<vmem>>, vector<16xf32>,
    tpu.vector_store %arg6[%swap3A_190, %swap3A_191], %get3A_188 {strides = array<i32>} : memref<2x1024xf32, #tpu.memory_space<vmem>>, vector<16xf32>,
    %get3A_193 = arith.constant 0 : i32
    %get3A_194 = arith.index_cast %get3A_193 : i32 to index
    %get3A_195 = arith.constant 384 : index
    %get3A_196 = tpu.vector_load %arg4[%get3A_194, %get3A_195] {strides = array<i32>} : memref<2x1024xf32, #tpu.memory_space<vmem>>, vector<16xf32>,
    %swap3A_197 = arith.constant 0 : i32
    %swap3A_198 = arith.index_cast %swap3A_197 : i32 to index
    %swap3A_199 = arith.constant 384 : index
    %swap3A_200 = tpu.vector_load %arg6[%swap3A_198, %swap3A_199] {strides = array<i32>} : memref<2x1024xf32, #tpu.memory_space<vmem>>, vector<16xf32>,
    tpu.vector_store %arg6[%swap3A_198, %swap3A_199], %get3A_196 {strides = array<i32>} : memref<2x1024xf32, #tpu.memory_space<vmem>>, vector<16xf32>,
    %get3A_201 = arith.constant 0 : i32
    %get3A_202 = arith.index_cast %get3A_201 : i32 to index
    %get3A_203 = arith.constant 400 : index
    %get3A_204 = tpu.vector_load %arg4[%get3A_202, %get3A_203] {strides = array<i32>} : memref<2x1024xf32, #tpu.memory_space<vmem>>, vector<16xf32>,
    %swap3A_205 = arith.constant 0 : i32
    %swap3A_206 = arith.index_cast %swap3A_205 : i32 to index
    %swap3A_207 = arith.constant 400 : index
    %swap3A_208 = tpu.vector_load %arg6[%swap3A_206, %swap3A_207] {strides = array<i32>} : memref<2x1024xf32, #tpu.memory_space<vmem>>, vector<16xf32>,
    tpu.vector_store %arg6[%swap3A_206, %swap3A_207], %get3A_204 {strides = array<i32>} : memref<2x1024xf32, #tpu.memory_space<vmem>>, vector<16xf32>,
    %get3A_209 = arith.constant 0 : i32
    %get3A_210 = arith.index_cast %get3A_209 : i32 to index
    %get3A_211 = arith.constant 416 : index
    %get3A_212 = tpu.vector_load %arg4[%get3A_210, %get3A_211] {strides = array<i32>} : memref<2x1024xf32, #tpu.memory_space<vmem>>, vector<16xf32>,
    %swap3A_213 = arith.constant 0 : i32
    %swap3A_214 = arith.index_cast %swap3A_213 : i32 to index
    %swap3A_215 = arith.constant 416 : index
    %swap3A_216 = tpu.vector_load %arg6[%swap3A_214, %swap3A_215] {strides = array<i32>} : memref<2x1024xf32, #tpu.memory_space<vmem>>, vector<16xf32>,
    tpu.vector_store %arg6[%swap3A_214, %swap3A_215], %get3A_212 {strides = array<i32>} : memref<2x1024xf32, #tpu.memory_space<vmem>>, vector<16xf32>,
    %get3A_217 = arith.constant 0 : i32
    %get3A_218 = arith.index_cast %get3A_217 : i32 to index
    %get3A_219 = arith.constant 432 : index
    %get3A_220 = tpu.vector_load %arg4[%get3A_218, %get3A_219] {strides = array<i32>} : memref<2x1024xf32, #tpu.memory_space<vmem>>, vector<16xf32>,
    %swap3A_221 = arith.constant 0 : i32
    %swap3A_222 = arith.index_cast %swap3A_221 : i32 to index
    %swap3A_223 = arith.constant 432 : index
    %swap3A_224 = tpu.vector_load %arg6[%swap3A_222, %swap3A_223] {strides = array<i32>} : memref<2x1024xf32, #tpu.memory_space<vmem>>, vector<16xf32>,
    tpu.vector_store %arg6[%swap3A_222, %swap3A_223], %get3A_220 {strides = array<i32>} : memref<2x1024xf32, #tpu.memory_space<vmem>>, vector<16xf32>,
    %get3A_225 = arith.constant 0 : i32
    %get3A_226 = arith.index_cast %get3A_225 : i32 to index
    %get3A_227 = arith.constant 448 : index
    %get3A_228 = tpu.vector_load %arg4[%get3A_226, %get3A_227] {strides = array<i32>} : memref<2x1024xf32, #tpu.memory_space<vmem>>, vector<16xf32>,
    %swap3A_229 = arith.constant 0 : i32
    %swap3A_230 = arith.index_cast %swap3A_229 : i32 to index
    %swap3A_231 = arith.constant 448 : index
    %swap3A_232 = tpu.vector_load %arg6[%swap3A_230, %swap3A_231] {strides = array<i32>} : memref<2x1024xf32, #tpu.memory_space<vmem>>, vector<16xf32>,
    tpu.vector_store %arg6[%swap3A_230, %swap3A_231], %get3A_228 {strides = array<i32>} : memref<2x1024xf32, #tpu.memory_space<vmem>>, vector<16xf32>,
    %get3A_233 = arith.constant 0 : i32
    %get3A_234 = arith.index_cast %get3A_233 : i32 to index
    %get3A_235 = arith.constant 464 : index
    %get3A_236 = tpu.vector_load %arg4[%get3A_234, %get3A_235] {strides = array<i32>} : memref<2x1024xf32, #tpu.memory_space<vmem>>, vector<16xf32>,
    %swap3A_237 = arith.constant 0 : i32
    %swap3A_238 = arith.index_cast %swap3A_237 : i32 to index
    %swap3A_239 = arith.constant 464 : index
    %swap3A_240 = tpu.vector_load %arg6[%swap3A_238, %swap3A_239] {strides = array<i32>} : memref<2x1024xf32, #tpu.memory_space<vmem>>, vector<16xf32>,
    tpu.vector_store %arg6[%swap3A_238, %swap3A_239], %get3A_236 {strides = array<i32>} : memref<2x1024xf32, #tpu.memory_space<vmem>>, vector<16xf32>,
    %get3A_241 = arith.constant 0 : i32
    %get3A_242 = arith.index_cast %get3A_241 : i32 to index
    %get3A_243 = arith.constant 480 : index
    %get3A_244 = tpu.vector_load %arg4[%get3A_242, %get3A_243] {strides = array<i32>} : memref<2x1024xf32, #tpu.memory_space<vmem>>, vector<16xf32>,
    %swap3A_245 = arith.constant 0 : i32
    %swap3A_246 = arith.index_cast %swap3A_245 : i32 to index
    %swap3A_247 = arith.constant 480 : index
    %swap3A_248 = tpu.vector_load %arg6[%swap3A_246, %swap3A_247] {strides = array<i32>} : memref<2x1024xf32, #tpu.memory_space<vmem>>, vector<16xf32>,
    tpu.vector_store %arg6[%swap3A_246, %swap3A_247], %get3A_244 {strides = array<i32>} : memref<2x1024xf32, #tpu.memory_space<vmem>>, vector<16xf32>,
    %get3A_249 = arith.constant 0 : i32
    %get3A_250 = arith.index_cast %get3A_249 : i32 to index
    %get3A_251 = arith.constant 496 : index
    %get3A_252 = tpu.vector_load %arg4[%get3A_250, %get3A_251] {strides = array<i32>} : memref<2x1024xf32, #tpu.memory_space<vmem>>, vector<16xf32>,
    %swap3A_253 = arith.constant 0 : i32
    %swap3A_254 = arith.index_cast %swap3A_253 : i32 to index
    %swap3A_255 = arith.constant 496 : index
    %swap3A_256 = tpu.vector_load %arg6[%swap3A_254, %swap3A_255] {strides = array<i32>} : memref<2x1024xf32, #tpu.memory_space<vmem>>, vector<16xf32>,
    tpu.vector_store %arg6[%swap3A_254, %swap3A_255], %get3A_252 {strides = array<i32>} : memref<2x1024xf32, #tpu.memory_space<vmem>>, vector<16xf32>,
    %get3A_257 = arith.constant 0 : i32
    %get3A_258 = arith.index_cast %get3A_257 : i32 to index
    %get3A_259 = arith.constant 512 : index
    %get3A_260 = tpu.vector_load %arg4[%get3A_258, %get3A_259] {strides = array<i32>} : memref<2x1024xf32, #tpu.memory_space<vmem>>, vector<16xf32>,
    %swap3A_261 = arith.constant 0 : i32
    %swap3A_262 = arith.index_cast %swap3A_261 : i32 to index
    %swap3A_263 = arith.constant 512 : index
    %swap3A_264 = tpu.vector_load %arg6[%swap3A_262, %swap3A_263] {strides = array<i32>} : memref<2x1024xf32, #tpu.memory_space<vmem>>, vector<16xf32>,
    tpu.vector_store %arg6[%swap3A_262, %swap3A_263], %get3A_260 {strides = array<i32>} : memref<2x1024xf32, #tpu.memory_space<vmem>>, vector<16xf32>,
    %get3A_265 = arith.constant 0 : i32
    %get3A_266 = arith.index_cast %get3A_265 : i32 to index
    %get3A_267 = arith.constant 528 : index
    %get3A_268 = tpu.vector_load %arg4[%get3A_266, %get3A_267] {strides = array<i32>} : memref<2x1024xf32, #tpu.memory_space<vmem>>, vector<16xf32>,
    %swap3A_269 = arith.constant 0 : i32
    %swap3A_270 = arith.index_cast %swap3A_269 : i32 to index
    %swap3A_271 = arith.constant 528 : index
    %swap3A_272 = tpu.vector_load %arg6[%swap3A_270, %swap3A_271] {strides = array<i32>} : memref<2x1024xf32, #tpu.memory_space<vmem>>, vector<16xf32>,
    tpu.vector_store %arg6[%swap3A_270, %swap3A_271], %get3A_268 {strides = array<i32>} : memref<2x1024xf32, #tpu.memory_space<vmem>>, vector<16xf32>,
    %get3A_273 = arith.constant 0 : i32
    %get3A_274 = arith.index_cast %get3A_273 : i32 to index
    %get3A_275 = arith.constant 544 : index
    %get3A_276 = tpu.vector_load %arg4[%get3A_274, %get3A_275] {strides = array<i32>} : memref<2x1024xf32, #tpu.memory_space<vmem>>, vector<16xf32>,
    %swap3A_277 = arith.constant 0 : i32
    %swap3A_278 = arith.index_cast %swap3A_277 : i32 to index
    %swap3A_279 = arith.constant 544 : index
    %swap3A_280 = tpu.vector_load %arg6[%swap3A_278, %swap3A_279] {strides = array<i32>} : memref<2x1024xf32, #tpu.memory_space<vmem>>, vector<16xf32>,
    tpu.vector_store %arg6[%swap3A_278, %swap3A_279], %get3A_276 {strides = array<i32>} : memref<2x1024xf32, #tpu.memory_space<vmem>>, vector<16xf32>,
    %get3A_281 = arith.constant 0 : i32
    %get3A_282 = arith.index_cast %get3A_281 : i32 to index
    %get3A_283 = arith.constant 560 : index
    %get3A_284 = tpu.vector_load %arg4[%get3A_282, %get3A_283] {strides = array<i32>} : memref<2x1024xf32, #tpu.memory_space<vmem>>, vector<16xf32>,
    %swap3A_285 = arith.constant 0 : i32
    %swap3A_286 = arith.index_cast %swap3A_285 : i32 to index
    %swap3A_287 = arith.constant 560 : index
    %swap3A_288 = tpu.vector_load %arg6[%swap3A_286, %swap3A_287] {strides = array<i32>} : memref<2x1024xf32, #tpu.memory_space<vmem>>, vector<16xf32>,
    tpu.vector_store %arg6[%swap3A_286, %swap3A_287], %get3A_284 {strides = array<i32>} : memref<2x1024xf32, #tpu.memory_space<vmem>>, vector<16xf32>,
    %get3A_289 = arith.constant 0 : i32
    %get3A_290 = arith.index_cast %get3A_289 : i32 to index
    %get3A_291 = arith.constant 576 : index
    %get3A_292 = tpu.vector_load %arg4[%get3A_290, %get3A_291] {strides = array<i32>} : memref<2x1024xf32, #tpu.memory_space<vmem>>, vector<16xf32>,
    %swap3A_293 = arith.constant 0 : i32
    %swap3A_294 = arith.index_cast %swap3A_293 : i32 to index
    %swap3A_295 = arith.constant 576 : index
    %swap3A_296 = tpu.vector_load %arg6[%swap3A_294, %swap3A_295] {strides = array<i32>} : memref<2x1024xf32, #tpu.memory_space<vmem>>, vector<16xf32>,
    tpu.vector_store %arg6[%swap3A_294, %swap3A_295], %get3A_292 {strides = array<i32>} : memref<2x1024xf32, #tpu.memory_space<vmem>>, vector<16xf32>,
    %get3A_297 = arith.constant 0 : i32
    %get3A_298 = arith.index_cast %get3A_297 : i32 to index
    %get3A_299 = arith.constant 592 : index
    %get3A_300 = tpu.vector_load %arg4[%get3A_298, %get3A_299] {strides = array<i32>} : memref<2x1024xf32, #tpu.memory_space<vmem>>, vector<16xf32>,
    %swap3A_301 = arith.constant 0 : i32
    %swap3A_302 = arith.index_cast %swap3A_301 : i32 to index
    %swap3A_303 = arith.constant 592 : index
    %swap3A_304 = tpu.vector_load %arg6[%swap3A_302, %swap3A_303] {strides = array<i32>} : memref<2x1024xf32, #tpu.memory_space<vmem>>, vector<16xf32>,
    tpu.vector_store %arg6[%swap3A_302, %swap3A_303], %get3A_300 {strides = array<i32>} : memref<2x1024xf32, #tpu.memory_space<vmem>>, vector<16xf32>,
    %get3A_305 = arith.constant 0 : i32
    %get3A_306 = arith.index_cast %get3A_305 : i32 to index
    %get3A_307 = arith.constant 608 : index
    %get3A_308 = tpu.vector_load %arg4[%get3A_306, %get3A_307] {strides = array<i32>} : memref<2x1024xf32, #tpu.memory_space<vmem>>, vector<16xf32>,
    %swap3A_309 = arith.constant 0 : i32
    %swap3A_310 = arith.index_cast %swap3A_309 : i32 to index
    %swap3A_311 = arith.constant 608 : index
    %swap3A_312 = tpu.vector_load %arg6[%swap3A_310, %swap3A_311] {strides = array<i32>} : memref<2x1024xf32, #tpu.memory_space<vmem>>, vector<16xf32>,
    tpu.vector_store %arg6[%swap3A_310, %swap3A_311], %get3A_308 {strides = array<i32>} : memref<2x1024xf32, #tpu.memory_space<vmem>>, vector<16xf32>,
    %get3A_313 = arith.constant 0 : i32
    %get3A_314 = arith.index_cast %get3A_313 : i32 to index
    %get3A_315 = arith.constant 624 : index
    %get3A_316 = tpu.vector_load %arg4[%get3A_314, %get3A_315] {strides = array<i32>} : memref<2x1024xf32, #tpu.memory_space<vmem>>, vector<16xf32>,
    %swap3A_317 = arith.constant 0 : i32
    %swap3A_318 = arith.index_cast %swap3A_317 : i32 to index
    %swap3A_319 = arith.constant 624 : index
    %swap3A_320 = tpu.vector_load %arg6[%swap3A_318, %swap3A_319] {strides = array<i32>} : memref<2x1024xf32, #tpu.memory_space<vmem>>, vector<16xf32>,
    tpu.vector_store %arg6[%swap3A_318, %swap3A_319], %get3A_316 {strides = array<i32>} : memref<2x1024xf32, #tpu.memory_space<vmem>>, vector<16xf32>,
    %get3A_321 = arith.constant 0 : i32
    %get3A_322 = arith.index_cast %get3A_321 : i32 to index
    %get3A_323 = arith.constant 640 : index
    %get3A_324 = tpu.vector_load %arg4[%get3A_322, %get3A_323] {strides = array<i32>} : memref<2x1024xf32, #tpu.memory_space<vmem>>, vector<16xf32>,
    %swap3A_325 = arith.constant 0 : i32
    %swap3A_326 = arith.index_cast %swap3A_325 : i32 to index
    %swap3A_327 = arith.constant 640 : index
    %swap3A_328 = tpu.vector_load %arg6[%swap3A_326, %swap3A_327] {strides = array<i32>} : memref<2x1024xf32, #tpu.memory_space<vmem>>, vector<16xf32>,
    tpu.vector_store %arg6[%swap3A_326, %swap3A_327], %get3A_324 {strides = array<i32>} : memref<2x1024xf32, #tpu.memory_space<vmem>>, vector<16xf32>,
    %get3A_329 = arith.constant 0 : i32
    %get3A_330 = arith.index_cast %get3A_329 : i32 to index
    %get3A_331 = arith.constant 656 : index
    %get3A_332 = tpu.vector_load %arg4[%get3A_330, %get3A_331] {strides = array<i32>} : memref<2x1024xf32, #tpu.memory_space<vmem>>, vector<16xf32>,
    %swap3A_333 = arith.constant 0 : i32
    %swap3A_334 = arith.index_cast %swap3A_333 : i32 to index
    %swap3A_335 = arith.constant 656 : index
    %swap3A_336 = tpu.vector_load %arg6[%swap3A_334, %swap3A_335] {strides = array<i32>} : memref<2x1024xf32, #tpu.memory_space<vmem>>, vector<16xf32>,
    tpu.vector_store %arg6[%swap3A_334, %swap3A_335], %get3A_332 {strides = array<i32>} : memref<2x1024xf32, #tpu.memory_space<vmem>>, vector<16xf32>,
    %get3A_337 = arith.constant 0 : i32
    %get3A_338 = arith.index_cast %get3A_337 : i32 to index
    %get3A_339 = arith.constant 672 : index
    %get3A_340 = tpu.vector_load %arg4[%get3A_338, %get3A_339] {strides = array<i32>} : memref<2x1024xf32, #tpu.memory_space<vmem>>, vector<16xf32>,
    %swap3A_341 = arith.constant 0 : i32
    %swap3A_342 = arith.index_cast %swap3A_341 : i32 to index
    %swap3A_343 = arith.constant 672 : index
    %swap3A_344 = tpu.vector_load %arg6[%swap3A_342, %swap3A_343] {strides = array<i32>} : memref<2x1024xf32, #tpu.memory_space<vmem>>, vector<16xf32>,
    tpu.vector_store %arg6[%swap3A_342, %swap3A_343], %get3A_340 {strides = array<i32>} : memref<2x1024xf32, #tpu.memory_space<vmem>>, vector<16xf32>,
    %get3A_345 = arith.constant 0 : i32
    %get3A_346 = arith.index_cast %get3A_345 : i32 to index
    %get3A_347 = arith.constant 688 : index
    %get3A_348 = tpu.vector_load %arg4[%get3A_346, %get3A_347] {strides = array<i32>} : memref<2x1024xf32, #tpu.memory_space<vmem>>, vector<16xf32>,
    %swap3A_349 = arith.constant 0 : i32
    %swap3A_350 = arith.index_cast %swap3A_349 : i32 to index
    %swap3A_351 = arith.constant 688 : index
    %swap3A_352 = tpu.vector_load %arg6[%swap3A_350, %swap3A_351] {strides = array<i32>} : memref<2x1024xf32, #tpu.memory_space<vmem>>, vector<16xf32>,
    tpu.vector_store %arg6[%swap3A_350, %swap3A_351], %get3A_348 {strides = array<i32>} : memref<2x1024xf32, #tpu.memory_space<vmem>>, vector<16xf32>,
    %get3A_353 = arith.constant 0 : i32
    %get3A_354 = arith.index_cast %get3A_353 : i32 to index
    %get3A_355 = arith.constant 704 : index
    %get3A_356 = tpu.vector_load %arg4[%get3A_354, %get3A_355] {strides = array<i32>} : memref<2x1024xf32, #tpu.memory_space<vmem>>, vector<16xf32>,
    %swap3A_357 = arith.constant 0 : i32
    %swap3A_358 = arith.index_cast %swap3A_357 : i32 to index
    %swap3A_359 = arith.constant 704 : index
    %swap3A_360 = tpu.vector_load %arg6[%swap3A_358, %swap3A_359] {strides = array<i32>} : memref<2x1024xf32, #tpu.memory_space<vmem>>, vector<16xf32>,
    tpu.vector_store %arg6[%swap3A_358, %swap3A_359], %get3A_356 {strides = array<i32>} : memref<2x1024xf32, #tpu.memory_space<vmem>>, vector<16xf32>,
    %get3A_361 = arith.constant 0 : i32
    %get3A_362 = arith.index_cast %get3A_361 : i32 to index
    %get3A_363 = arith.constant 720 : index
    %get3A_364 = tpu.vector_load %arg4[%get3A_362, %get3A_363] {strides = array<i32>} : memref<2x1024xf32, #tpu.memory_space<vmem>>, vector<16xf32>,
    %swap3A_365 = arith.constant 0 : i32
    %swap3A_366 = arith.index_cast %swap3A_365 : i32 to index
    %swap3A_367 = arith.constant 720 : index
    %swap3A_368 = tpu.vector_load %arg6[%swap3A_366, %swap3A_367] {strides = array<i32>} : memref<2x1024xf32, #tpu.memory_space<vmem>>, vector<16xf32>,
    tpu.vector_store %arg6[%swap3A_366, %swap3A_367], %get3A_364 {strides = array<i32>} : memref<2x1024xf32, #tpu.memory_space<vmem>>, vector<16xf32>,
    %get3A_369 = arith.constant 0 : i32
    %get3A_370 = arith.index_cast %get3A_369 : i32 to index
    %get3A_371 = arith.constant 736 : index
    %get3A_372 = tpu.vector_load %arg4[%get3A_370, %get3A_371] {strides = array<i32>} : memref<2x1024xf32, #tpu.memory_space<vmem>>, vector<16xf32>,
    %swap3A_373 = arith.constant 0 : i32
    %swap3A_374 = arith.index_cast %swap3A_373 : i32 to index
    %swap3A_375 = arith.constant 736 : index
    %swap3A_376 = tpu.vector_load %arg6[%swap3A_374, %swap3A_375] {strides = array<i32>} : memref<2x1024xf32, #tpu.memory_space<vmem>>, vector<16xf32>,
    tpu.vector_store %arg6[%swap3A_374, %swap3A_375], %get3A_372 {strides = array<i32>} : memref<2x1024xf32, #tpu.memory_space<vmem>>, vector<16xf32>,
    %get3A_377 = arith.constant 0 : i32
    %get3A_378 = arith.index_cast %get3A_377 : i32 to index
    %get3A_379 = arith.constant 752 : index
    %get3A_380 = tpu.vector_load %arg4[%get3A_378, %get3A_379] {strides = array<i32>} : memref<2x1024xf32, #tpu.memory_space<vmem>>, vector<16xf32>,
    %swap3A_381 = arith.constant 0 : i32
    %swap3A_382 = arith.index_cast %swap3A_381 : i32 to index
    %swap3A_383 = arith.constant 752 : index
    %swap3A_384 = tpu.vector_load %arg6[%swap3A_382, %swap3A_383] {strides = array<i32>} : memref<2x1024xf32, #tpu.memory_space<vmem>>, vector<16xf32>,
    tpu.vector_store %arg6[%swap3A_382, %swap3A_383], %get3A_380 {strides = array<i32>} : memref<2x1024xf32, #tpu.memory_space<vmem>>, vector<16xf32>,
    %get3A_385 = arith.constant 0 : i32
    %get3A_386 = arith.index_cast %get3A_385 : i32 to index
    %get3A_387 = arith.constant 768 : index
    %get3A_388 = tpu.vector_load %arg4[%get3A_386, %get3A_387] {strides = array<i32>} : memref<2x1024xf32, #tpu.memory_space<vmem>>, vector<16xf32>,
    %swap3A_389 = arith.constant 0 : i32
    %swap3A_390 = arith.index_cast %swap3A_389 : i32 to index
    %swap3A_391 = arith.constant 768 : index
    %swap3A_392 = tpu.vector_load %arg6[%swap3A_390, %swap3A_391] {strides = array<i32>} : memref<2x1024xf32, #tpu.memory_space<vmem>>, vector<16xf32>,
    tpu.vector_store %arg6[%swap3A_390, %swap3A_391], %get3A_388 {strides = array<i32>} : memref<2x1024xf32, #tpu.memory_space<vmem>>, vector<16xf32>,
    %get3A_393 = arith.constant 0 : i32
    %get3A_394 = arith.index_cast %get3A_393 : i32 to index
    %get3A_395 = arith.constant 784 : index
    %get3A_396 = tpu.vector_load %arg4[%get3A_394, %get3A_395] {strides = array<i32>} : memref<2x1024xf32, #tpu.memory_space<vmem>>, vector<16xf32>,
    %swap3A_397 = arith.constant 0 : i32
    %swap3A_398 = arith.index_cast %swap3A_397 : i32 to index
    %swap3A_399 = arith.constant 784 : index
    %swap3A_400 = tpu.vector_load %arg6[%swap3A_398, %swap3A_399] {strides = array<i32>} : memref<2x1024xf32, #tpu.memory_space<vmem>>, vector<16xf32>,
    tpu.vector_store %arg6[%swap3A_398, %swap3A_399], %get3A_396 {strides = array<i32>} : memref<2x1024xf32, #tpu.memory_space<vmem>>, vector<16xf32>,
    %get3A_401 = arith.constant 0 : i32
    %get3A_402 = arith.index_cast %get3A_401 : i32 to index
    %get3A_403 = arith.constant 800 : index
    %get3A_404 = tpu.vector_load %arg4[%get3A_402, %get3A_403] {strides = array<i32>} : memref<2x1024xf32, #tpu.memory_space<vmem>>, vector<16xf32>,
    %swap3A_405 = arith.constant 0 : i32
    %swap3A_406 = arith.index_cast %swap3A_405 : i32 to index
    %swap3A_407 = arith.constant 800 : index
    %swap3A_408 = tpu.vector_load %arg6[%swap3A_406, %swap3A_407] {strides = array<i32>} : memref<2x1024xf32, #tpu.memory_space<vmem>>, vector<16xf32>,
    tpu.vector_store %arg6[%swap3A_406, %swap3A_407], %get3A_404 {strides = array<i32>} : memref<2x1024xf32, #tpu.memory_space<vmem>>, vector<16xf32>,
    %get3A_409 = arith.constant 0 : i32
    %get3A_410 = arith.index_cast %get3A_409 : i32 to index
    %get3A_411 = arith.constant 816 : index
    %get3A_412 = tpu.vector_load %arg4[%get3A_410, %get3A_411] {strides = array<i32>} : memref<2x1024xf32, #tpu.memory_space<vmem>>, vector<16xf32>,
    %swap3A_413 = arith.constant 0 : i32
    %swap3A_414 = arith.index_cast %swap3A_413 : i32 to index
    %swap3A_415 = arith.constant 816 : index
    %swap3A_416 = tpu.vector_load %arg6[%swap3A_414, %swap3A_415] {strides = array<i32>} : memref<2x1024xf32, #tpu.memory_space<vmem>>, vector<16xf32>,
    tpu.vector_store %arg6[%swap3A_414, %swap3A_415], %get3A_412 {strides = array<i32>} : memref<2x1024xf32, #tpu.memory_space<vmem>>, vector<16xf32>,
    %get3A_417 = arith.constant 0 : i32
    %get3A_418 = arith.index_cast %get3A_417 : i32 to index
    %get3A_419 = arith.constant 832 : index
    %get3A_420 = tpu.vector_load %arg4[%get3A_418, %get3A_419] {strides = array<i32>} : memref<2x1024xf32, #tpu.memory_space<vmem>>, vector<16xf32>,
    %swap3A_421 = arith.constant 0 : i32
    %swap3A_422 = arith.index_cast %swap3A_421 : i32 to index
    %swap3A_423 = arith.constant 832 : index
    %swap3A_424 = tpu.vector_load %arg6[%swap3A_422, %swap3A_423] {strides = array<i32>} : memref<2x1024xf32, #tpu.memory_space<vmem>>, vector<16xf32>,
    tpu.vector_store %arg6[%swap3A_422, %swap3A_423], %get3A_420 {strides = array<i32>} : memref<2x1024xf32, #tpu.memory_space<vmem>>, vector<16xf32>,
    %get3A_425 = arith.constant 0 : i32
    %get3A_426 = arith.index_cast %get3A_425 : i32 to index
    %get3A_427 = arith.constant 848 : index
    %get3A_428 = tpu.vector_load %arg4[%get3A_426, %get3A_427] {strides = array<i32>} : memref<2x1024xf32, #tpu.memory_space<vmem>>, vector<16xf32>,
    %swap3A_429 = arith.constant 0 : i32
    %swap3A_430 = arith.index_cast %swap3A_429 : i32 to index
    %swap3A_431 = arith.constant 848 : index
    %swap3A_432 = tpu.vector_load %arg6[%swap3A_430, %swap3A_431] {strides = array<i32>} : memref<2x1024xf32, #tpu.memory_space<vmem>>, vector<16xf32>,
    tpu.vector_store %arg6[%swap3A_430, %swap3A_431], %get3A_428 {strides = array<i32>} : memref<2x1024xf32, #tpu.memory_space<vmem>>, vector<16xf32>,
    %get3A_433 = arith.constant 0 : i32
    %get3A_434 = arith.index_cast %get3A_433 : i32 to index
    %get3A_435 = arith.constant 864 : index
    %get3A_436 = tpu.vector_load %arg4[%get3A_434, %get3A_435] {strides = array<i32>} : memref<2x1024xf32, #tpu.memory_space<vmem>>, vector<16xf32>,
    %swap3A_437 = arith.constant 0 : i32
    %swap3A_438 = arith.index_cast %swap3A_437 : i32 to index
    %swap3A_439 = arith.constant 864 : index
    %swap3A_440 = tpu.vector_load %arg6[%swap3A_438, %swap3A_439] {strides = array<i32>} : memref<2x1024xf32, #tpu.memory_space<vmem>>, vector<16xf32>,
    tpu.vector_store %arg6[%swap3A_438, %swap3A_439], %get3A_436 {strides = array<i32>} : memref<2x1024xf32, #tpu.memory_space<vmem>>, vector<16xf32>,
    %get3A_441 = arith.constant 0 : i32
    %get3A_442 = arith.index_cast %get3A_441 : i32 to index
    %get3A_443 = arith.constant 880 : index
    %get3A_444 = tpu.vector_load %arg4[%get3A_442, %get3A_443] {strides = array<i32>} : memref<2x1024xf32, #tpu.memory_space<vmem>>, vector<16xf32>,
    %swap3A_445 = arith.constant 0 : i32
    %swap3A_446 = arith.index_cast %swap3A_445 : i32 to index
    %swap3A_447 = arith.constant 880 : index
    %swap3A_448 = tpu.vector_load %arg6[%swap3A_446, %swap3A_447] {strides = array<i32>} : memref<2x1024xf32, #tpu.memory_space<vmem>>, vector<16xf32>,
    tpu.vector_store %arg6[%swap3A_446, %swap3A_447], %get3A_444 {strides = array<i32>} : memref<2x1024xf32, #tpu.memory_space<vmem>>, vector<16xf32>,
    %get3A_449 = arith.constant 0 : i32
    %get3A_450 = arith.index_cast %get3A_449 : i32 to index
    %get3A_451 = arith.constant 896 : index
    %get3A_452 = tpu.vector_load %arg4[%get3A_450, %get3A_451] {strides = array<i32>} : memref<2x1024xf32, #tpu.memory_space<vmem>>, vector<16xf32>,
    %swap3A_453 = arith.constant 0 : i32
    %swap3A_454 = arith.index_cast %swap3A_453 : i32 to index
    %swap3A_455 = arith.constant 896 : index
    %swap3A_456 = tpu.vector_load %arg6[%swap3A_454, %swap3A_455] {strides = array<i32>} : memref<2x1024xf32, #tpu.memory_space<vmem>>, vector<16xf32>,
    tpu.vector_store %arg6[%swap3A_454, %swap3A_455], %get3A_452 {strides = array<i32>} : memref<2x1024xf32, #tpu.memory_space<vmem>>, vector<16xf32>,
    %get3A_457 = arith.constant 0 : i32
    %get3A_458 = arith.index_cast %get3A_457 : i32 to index
    %get3A_459 = arith.constant 912 : index
    %get3A_460 = tpu.vector_load %arg4[%get3A_458, %get3A_459] {strides = array<i32>} : memref<2x1024xf32, #tpu.memory_space<vmem>>, vector<16xf32>,
    %swap3A_461 = arith.constant 0 : i32
    %swap3A_462 = arith.index_cast %swap3A_461 : i32 to index
    %swap3A_463 = arith.constant 912 : index
    %swap3A_464 = tpu.vector_load %arg6[%swap3A_462, %swap3A_463] {strides = array<i32>} : memref<2x1024xf32, #tpu.memory_space<vmem>>, vector<16xf32>,
    tpu.vector_store %arg6[%swap3A_462, %swap3A_463], %get3A_460 {strides = array<i32>} : memref<2x1024xf32, #tpu.memory_space<vmem>>, vector<16xf32>,
    %get3A_465 = arith.constant 0 : i32
    %get3A_466 = arith.index_cast %get3A_465 : i32 to index
    %get3A_467 = arith.constant 928 : index
    %get3A_468 = tpu.vector_load %arg4[%get3A_466, %get3A_467] {strides = array<i32>} : memref<2x1024xf32, #tpu.memory_space<vmem>>, vector<16xf32>,
    %swap3A_469 = arith.constant 0 : i32
    %swap3A_470 = arith.index_cast %swap3A_469 : i32 to index
    %swap3A_471 = arith.constant 928 : index
    %swap3A_472 = tpu.vector_load %arg6[%swap3A_470, %swap3A_471] {strides = array<i32>} : memref<2x1024xf32, #tpu.memory_space<vmem>>, vector<16xf32>,
    tpu.vector_store %arg6[%swap3A_470, %swap3A_471], %get3A_468 {strides = array<i32>} : memref<2x1024xf32, #tpu.memory_space<vmem>>, vector<16xf32>,
    %get3A_473 = arith.constant 0 : i32
    %get3A_474 = arith.index_cast %get3A_473 : i32 to index
    %get3A_475 = arith.constant 944 : index
    %get3A_476 = tpu.vector_load %arg4[%get3A_474, %get3A_475] {strides = array<i32>} : memref<2x1024xf32, #tpu.memory_space<vmem>>, vector<16xf32>,
    %swap3A_477 = arith.constant 0 : i32
    %swap3A_478 = arith.index_cast %swap3A_477 : i32 to index
    %swap3A_479 = arith.constant 944 : index
    %swap3A_480 = tpu.vector_load %arg6[%swap3A_478, %swap3A_479] {strides = array<i32>} : memref<2x1024xf32, #tpu.memory_space<vmem>>, vector<16xf32>,
    tpu.vector_store %arg6[%swap3A_478, %swap3A_479], %get3A_476 {strides = array<i32>} : memref<2x1024xf32, #tpu.memory_space<vmem>>, vector<16xf32>,
    %get3A_481 = arith.constant 0 : i32
    %get3A_482 = arith.index_cast %get3A_481 : i32 to index
    %get3A_483 = arith.constant 960 : index
    %get3A_484 = tpu.vector_load %arg4[%get3A_482, %get3A_483] {strides = array<i32>} : memref<2x1024xf32, #tpu.memory_space<vmem>>, vector<16xf32>,
    %swap3A_485 = arith.constant 0 : i32
    %swap3A_486 = arith.index_cast %swap3A_485 : i32 to index
    %swap3A_487 = arith.constant 960 : index
    %swap3A_488 = tpu.vector_load %arg6[%swap3A_486, %swap3A_487] {strides = array<i32>} : memref<2x1024xf32, #tpu.memory_space<vmem>>, vector<16xf32>,
    tpu.vector_store %arg6[%swap3A_486, %swap3A_487], %get3A_484 {strides = array<i32>} : memref<2x1024xf32, #tpu.memory_space<vmem>>, vector<16xf32>,
    %get3A_489 = arith.constant 0 : i32
    %get3A_490 = arith.index_cast %get3A_489 : i32 to index
    %get3A_491 = arith.constant 976 : index
    %get3A_492 = tpu.vector_load %arg4[%get3A_490, %get3A_491] {strides = array<i32>} : memref<2x1024xf32, #tpu.memory_space<vmem>>, vector<16xf32>,
    %swap3A_493 = arith.constant 0 : i32
    %swap3A_494 = arith.index_cast %swap3A_493 : i32 to index
    %swap3A_495 = arith.constant 976 : index
    %swap3A_496 = tpu.vector_load %arg6[%swap3A_494, %swap3A_495] {strides = array<i32>} : memref<2x1024xf32, #tpu.memory_space<vmem>>, vector<16xf32>,
    tpu.vector_store %arg6[%swap3A_494, %swap3A_495], %get3A_492 {strides = array<i32>} : memref<2x1024xf32, #tpu.memory_space<vmem>>, vector<16xf32>,
    %get3A_497 = arith.constant 0 : i32
    %get3A_498 = arith.index_cast %get3A_497 : i32 to index
    %get3A_499 = arith.constant 992 : index
    %get3A_500 = tpu.vector_load %arg4[%get3A_498, %get3A_499] {strides = array<i32>} : memref<2x1024xf32, #tpu.memory_space<vmem>>, vector<16xf32>,
    %swap3A_501 = arith.constant 0 : i32
    %swap3A_502 = arith.index_cast %swap3A_501 : i32 to index
    %swap3A_503 = arith.constant 992 : index
    %swap3A_504 = tpu.vector_load %arg6[%swap3A_502, %swap3A_503] {strides = array<i32>} : memref<2x1024xf32, #tpu.memory_space<vmem>>, vector<16xf32>,
    tpu.vector_store %arg6[%swap3A_502, %swap3A_503], %get3A_500 {strides = array<i32>} : memref<2x1024xf32, #tpu.memory_space<vmem>>, vector<16xf32>,
    %get3A_505 = arith.constant 0 : i32
    %get3A_506 = arith.index_cast %get3A_505 : i32 to index
    %get3A_507 = arith.constant 1008 : index
    %get3A_508 = tpu.vector_load %arg4[%get3A_506, %get3A_507] {strides = array<i32>} : memref<2x1024xf32, #tpu.memory_space<vmem>>, vector<16xf32>,
    %swap3A_509 = arith.constant 0 : i32
    %swap3A_510 = arith.index_cast %swap3A_509 : i32 to index
    %swap3A_511 = arith.constant 1008 : index
    %swap3A_512 = tpu.vector_load %arg6[%swap3A_510, %swap3A_511] {strides = array<i32>} : memref<2x1024xf32, #tpu.memory_space<vmem>>, vector<16xf32>,
    tpu.vector_store %arg6[%swap3A_510, %swap3A_511], %get3A_508 {strides = array<i32>} : memref<2x1024xf32, #tpu.memory_space<vmem>>, vector<16xf32>,
    %get3A_513 = arith.constant 1 : i32
    %get3A_514 = arith.index_cast %get3A_513 : i32 to index
    %get3A_515 = arith.constant 0 : index
    %get3A_516 = tpu.vector_load %arg4[%get3A_514, %get3A_515] {strides = array<i32>} : memref<2x1024xf32, #tpu.memory_space<vmem>>, vector<16xf32>,
    %swap3A_517 = arith.constant 1 : i32
    %swap3A_518 = arith.index_cast %swap3A_517 : i32 to index
    %swap3A_519 = arith.constant 0 : index
    %swap3A_520 = tpu.vector_load %arg6[%swap3A_518, %swap3A_519] {strides = array<i32>} : memref<2x1024xf32, #tpu.memory_space<vmem>>, vector<16xf32>,
    tpu.vector_store %arg6[%swap3A_518, %swap3A_519], %get3A_516 {strides = array<i32>} : memref<2x1024xf32, #tpu.memory_space<vmem>>, vector<16xf32>,
    %get3A_521 = arith.constant 1 : i32
    %get3A_522 = arith.index_cast %get3A_521 : i32 to index
    %get3A_523 = arith.constant 16 : index
    %get3A_524 = tpu.vector_load %arg4[%get3A_522, %get3A_523] {strides = array<i32>} : memref<2x1024xf32, #tpu.memory_space<vmem>>, vector<16xf32>,
    %swap3A_525 = arith.constant 1 : i32
    %swap3A_526 = arith.index_cast %swap3A_525 : i32 to index
    %swap3A_527 = arith.constant 16 : index
    %swap3A_528 = tpu.vector_load %arg6[%swap3A_526, %swap3A_527] {strides = array<i32>} : memref<2x1024xf32, #tpu.memory_space<vmem>>, vector<16xf32>,
    tpu.vector_store %arg6[%swap3A_526, %swap3A_527], %get3A_524 {strides = array<i32>} : memref<2x1024xf32, #tpu.memory_space<vmem>>, vector<16xf32>,
    %get3A_529 = arith.constant 1 : i32
    %get3A_530 = arith.index_cast %get3A_529 : i32 to index
    %get3A_531 = arith.constant 32 : index
    %get3A_532 = tpu.vector_load %arg4[%get3A_530, %get3A_531] {strides = array<i32>} : memref<2x1024xf32, #tpu.memory_space<vmem>>, vector<16xf32>,
    %swap3A_533 = arith.constant 1 : i32
    %swap3A_534 = arith.index_cast %swap3A_533 : i32 to index
    %swap3A_535 = arith.constant 32 : index
    %swap3A_536 = tpu.vector_load %arg6[%swap3A_534, %swap3A_535] {strides = array<i32>} : memref<2x1024xf32, #tpu.memory_space<vmem>>, vector<16xf32>,
    tpu.vector_store %arg6[%swap3A_534, %swap3A_535], %get3A_532 {strides = array<i32>} : memref<2x1024xf32, #tpu.memory_space<vmem>>, vector<16xf32>,
    %get3A_537 = arith.constant 1 : i32
    %get3A_538 = arith.index_cast %get3A_537 : i32 to index
    %get3A_539 = arith.constant 48 : index
    %get3A_540 = tpu.vector_load %arg4[%get3A_538, %get3A_539] {strides = array<i32>} : memref<2x1024xf32, #tpu.memory_space<vmem>>, vector<16xf32>,
    %swap3A_541 = arith.constant 1 : i32
    %swap3A_542 = arith.index_cast %swap3A_541 : i32 to index
    %swap3A_543 = arith.constant 48 : index
    %swap3A_544 = tpu.vector_load %arg6[%swap3A_542, %swap3A_543] {strides = array<i32>} : memref<2x1024xf32, #tpu.memory_space<vmem>>, vector<16xf32>,
    tpu.vector_store %arg6[%swap3A_542, %swap3A_543], %get3A_540 {strides = array<i32>} : memref<2x1024xf32, #tpu.memory_space<vmem>>, vector<16xf32>,
    %get3A_545 = arith.constant 1 : i32
    %get3A_546 = arith.index_cast %get3A_545 : i32 to index
    %get3A_547 = arith.constant 64 : index
    %get3A_548 = tpu.vector_load %arg4[%get3A_546, %get3A_547] {strides = array<i32>} : memref<2x1024xf32, #tpu.memory_space<vmem>>, vector<16xf32>,
    %swap3A_549 = arith.constant 1 : i32
    %swap3A_550 = arith.index_cast %swap3A_549 : i32 to index
    %swap3A_551 = arith.constant 64 : index
    %swap3A_552 = tpu.vector_load %arg6[%swap3A_550, %swap3A_551] {strides = array<i32>} : memref<2x1024xf32, #tpu.memory_space<vmem>>, vector<16xf32>,
    tpu.vector_store %arg6[%swap3A_550, %swap3A_551], %get3A_548 {strides = array<i32>} : memref<2x1024xf32, #tpu.memory_space<vmem>>, vector<16xf32>,
    %get3A_553 = arith.constant 1 : i32
    %get3A_554 = arith.index_cast %get3A_553 : i32 to index
    %get3A_555 = arith.constant 80 : index
    %get3A_556 = tpu.vector_load %arg4[%get3A_554, %get3A_555] {strides = array<i32>} : memref<2x1024xf32, #tpu.memory_space<vmem>>, vector<16xf32>,
    %swap3A_557 = arith.constant 1 : i32
    %swap3A_558 = arith.index_cast %swap3A_557 : i32 to index
    %swap3A_559 = arith.constant 80 : index
    %swap3A_560 = tpu.vector_load %arg6[%swap3A_558, %swap3A_559] {strides = array<i32>} : memref<2x1024xf32, #tpu.memory_space<vmem>>, vector<16xf32>,
    tpu.vector_store %arg6[%swap3A_558, %swap3A_559], %get3A_556 {strides = array<i32>} : memref<2x1024xf32, #tpu.memory_space<vmem>>, vector<16xf32>,
    %get3A_561 = arith.constant 1 : i32
    %get3A_562 = arith.index_cast %get3A_561 : i32 to index
    %get3A_563 = arith.constant 96 : index
    %get3A_564 = tpu.vector_load %arg4[%get3A_562, %get3A_563] {strides = array<i32>} : memref<2x1024xf32, #tpu.memory_space<vmem>>, vector<16xf32>,
    %swap3A_565 = arith.constant 1 : i32
    %swap3A_566 = arith.index_cast %swap3A_565 : i32 to index
    %swap3A_567 = arith.constant 96 : index
    %swap3A_568 = tpu.vector_load %arg6[%swap3A_566, %swap3A_567] {strides = array<i32>} : memref<2x1024xf32, #tpu.memory_space<vmem>>, vector<16xf32>,
    tpu.vector_store %arg6[%swap3A_566, %swap3A_567], %get3A_564 {strides = array<i32>} : memref<2x1024xf32, #tpu.memory_space<vmem>>, vector<16xf32>,
    %get3A_569 = arith.constant 1 : i32
    %get3A_570 = arith.index_cast %get3A_569 : i32 to index
    %get3A_571 = arith.constant 112 : index
    %get3A_572 = tpu.vector_load %arg4[%get3A_570, %get3A_571] {strides = array<i32>} : memref<2x1024xf32, #tpu.memory_space<vmem>>, vector<16xf32>,
    %swap3A_573 = arith.constant 1 : i32
    %swap3A_574 = arith.index_cast %swap3A_573 : i32 to index
    %swap3A_575 = arith.constant 112 : index
    %swap3A_576 = tpu.vector_load %arg6[%swap3A_574, %swap3A_575] {strides = array<i32>} : memref<2x1024xf32, #tpu.memory_space<vmem>>, vector<16xf32>,
    tpu.vector_store %arg6[%swap3A_574, %swap3A_575], %get3A_572 {strides = array<i32>} : memref<2x1024xf32, #tpu.memory_space<vmem>>, vector<16xf32>,
    %get3A_577 = arith.constant 1 : i32
    %get3A_578 = arith.index_cast %get3A_577 : i32 to index
    %get3A_579 = arith.constant 128 : index
    %get3A_580 = tpu.vector_load %arg4[%get3A_578, %get3A_579] {strides = array<i32>} : memref<2x1024xf32, #tpu.memory_space<vmem>>, vector<16xf32>,
    %swap3A_581 = arith.constant 1 : i32
    %swap3A_582 = arith.index_cast %swap3A_581 : i32 to index
    %swap3A_583 = arith.constant 128 : index
    %swap3A_584 = tpu.vector_load %arg6[%swap3A_582, %swap3A_583] {strides = array<i32>} : memref<2x1024xf32, #tpu.memory_space<vmem>>, vector<16xf32>,
    tpu.vector_store %arg6[%swap3A_582, %swap3A_583], %get3A_580 {strides = array<i32>} : memref<2x1024xf32, #tpu.memory_space<vmem>>, vector<16xf32>,
    %get3A_585 = arith.constant 1 : i32
    %get3A_586 = arith.index_cast %get3A_585 : i32 to index
    %get3A_587 = arith.constant 144 : index
    %get3A_588 = tpu.vector_load %arg4[%get3A_586, %get3A_587] {strides = array<i32>} : memref<2x1024xf32, #tpu.memory_space<vmem>>, vector<16xf32>,
    %swap3A_589 = arith.constant 1 : i32
    %swap3A_590 = arith.index_cast %swap3A_589 : i32 to index
    %swap3A_591 = arith.constant 144 : index
    %swap3A_592 = tpu.vector_load %arg6[%swap3A_590, %swap3A_591] {strides = array<i32>} : memref<2x1024xf32, #tpu.memory_space<vmem>>, vector<16xf32>,
    tpu.vector_store %arg6[%swap3A_590, %swap3A_591], %get3A_588 {strides = array<i32>} : memref<2x1024xf32, #tpu.memory_space<vmem>>, vector<16xf32>,
    %get3A_593 = arith.constant 1 : i32
    %get3A_594 = arith.index_cast %get3A_593 : i32 to index
    %get3A_595 = arith.constant 160 : index
    %get3A_596 = tpu.vector_load %arg4[%get3A_594, %get3A_595] {strides = array<i32>} : memref<2x1024xf32, #tpu.memory_space<vmem>>, vector<16xf32>,
    %swap3A_597 = arith.constant 1 : i32
    %swap3A_598 = arith.index_cast %swap3A_597 : i32 to index
    %swap3A_599 = arith.constant 160 : index
    %swap3A_600 = tpu.vector_load %arg6[%swap3A_598, %swap3A_599] {strides = array<i32>} : memref<2x1024xf32, #tpu.memory_space<vmem>>, vector<16xf32>,
    tpu.vector_store %arg6[%swap3A_598, %swap3A_599], %get3A_596 {strides = array<i32>} : memref<2x1024xf32, #tpu.memory_space<vmem>>, vector<16xf32>,
    %get3A_601 = arith.constant 1 : i32
    %get3A_602 = arith.index_cast %get3A_601 : i32 to index
    %get3A_603 = arith.constant 176 : index
    %get3A_604 = tpu.vector_load %arg4[%get3A_602, %get3A_603] {strides = array<i32>} : memref<2x1024xf32, #tpu.memory_space<vmem>>, vector<16xf32>,
    %swap3A_605 = arith.constant 1 : i32
    %swap3A_606 = arith.index_cast %swap3A_605 : i32 to index
    %swap3A_607 = arith.constant 176 : index
    %swap3A_608 = tpu.vector_load %arg6[%swap3A_606, %swap3A_607] {strides = array<i32>} : memref<2x1024xf32, #tpu.memory_space<vmem>>, vector<16xf32>,
    tpu.vector_store %arg6[%swap3A_606, %swap3A_607], %get3A_604 {strides = array<i32>} : memref<2x1024xf32, #tpu.memory_space<vmem>>, vector<16xf32>,
    %get3A_609 = arith.constant 1 : i32
    %get3A_610 = arith.index_cast %get3A_609 : i32 to index
    %get3A_611 = arith.constant 192 : index
    %get3A_612 = tpu.vector_load %arg4[%get3A_610, %get3A_611] {strides = array<i32>} : memref<2x1024xf32, #tpu.memory_space<vmem>>, vector<16xf32>,
    %swap3A_613 = arith.constant 1 : i32
    %swap3A_614 = arith.index_cast %swap3A_613 : i32 to index
    %swap3A_615 = arith.constant 192 : index
    %swap3A_616 = tpu.vector_load %arg6[%swap3A_614, %swap3A_615] {strides = array<i32>} : memref<2x1024xf32, #tpu.memory_space<vmem>>, vector<16xf32>,
    tpu.vector_store %arg6[%swap3A_614, %swap3A_615], %get3A_612 {strides = array<i32>} : memref<2x1024xf32, #tpu.memory_space<vmem>>, vector<16xf32>,
    %get3A_617 = arith.constant 1 : i32
    %get3A_618 = arith.index_cast %get3A_617 : i32 to index
    %get3A_619 = arith.constant 208 : index
    %get3A_620 = tpu.vector_load %arg4[%get3A_618, %get3A_619] {strides = array<i32>} : memref<2x1024xf32, #tpu.memory_space<vmem>>, vector<16xf32>,
    %swap3A_621 = arith.constant 1 : i32
    %swap3A_622 = arith.index_cast %swap3A_621 : i32 to index
    %swap3A_623 = arith.constant 208 : index
    %swap3A_624 = tpu.vector_load %arg6[%swap3A_622, %swap3A_623] {strides = array<i32>} : memref<2x1024xf32, #tpu.memory_space<vmem>>, vector<16xf32>,
    tpu.vector_store %arg6[%swap3A_622, %swap3A_623], %get3A_620 {strides = array<i32>} : memref<2x1024xf32, #tpu.memory_space<vmem>>, vector<16xf32>,
    %get3A_625 = arith.constant 1 : i32
    %get3A_626 = arith.index_cast %get3A_625 : i32 to index
    %get3A_627 = arith.constant 224 : index
    %get3A_628 = tpu.vector_load %arg4[%get3A_626, %get3A_627] {strides = array<i32>} : memref<2x1024xf32, #tpu.memory_space<vmem>>, vector<16xf32>,
    %swap3A_629 = arith.constant 1 : i32
    %swap3A_630 = arith.index_cast %swap3A_629 : i32 to index
    %swap3A_631 = arith.constant 224 : index
    %swap3A_632 = tpu.vector_load %arg6[%swap3A_630, %swap3A_631] {strides = array<i32>} : memref<2x1024xf32, #tpu.memory_space<vmem>>, vector<16xf32>,
    tpu.vector_store %arg6[%swap3A_630, %swap3A_631], %get3A_628 {strides = array<i32>} : memref<2x1024xf32, #tpu.memory_space<vmem>>, vector<16xf32>,
    %get3A_633 = arith.constant 1 : i32
    %get3A_634 = arith.index_cast %get3A_633 : i32 to index
    %get3A_635 = arith.constant 240 : index
    %get3A_636 = tpu.vector_load %arg4[%get3A_634, %get3A_635] {strides = array<i32>} : memref<2x1024xf32, #tpu.memory_space<vmem>>, vector<16xf32>,
    %swap3A_637 = arith.constant 1 : i32
    %swap3A_638 = arith.index_cast %swap3A_637 : i32 to index
    %swap3A_639 = arith.constant 240 : index
    %swap3A_640 = tpu.vector_load %arg6[%swap3A_638, %swap3A_639] {strides = array<i32>} : memref<2x1024xf32, #tpu.memory_space<vmem>>, vector<16xf32>,
    tpu.vector_store %arg6[%swap3A_638, %swap3A_639], %get3A_636 {strides = array<i32>} : memref<2x1024xf32, #tpu.memory_space<vmem>>, vector<16xf32>,
    %get3A_641 = arith.constant 1 : i32
    %get3A_642 = arith.index_cast %get3A_641 : i32 to index
    %get3A_643 = arith.constant 256 : index
    %get3A_644 = tpu.vector_load %arg4[%get3A_642, %get3A_643] {strides = array<i32>} : memref<2x1024xf32, #tpu.memory_space<vmem>>, vector<16xf32>,
    %swap3A_645 = arith.constant 1 : i32
    %swap3A_646 = arith.index_cast %swap3A_645 : i32 to index
    %swap3A_647 = arith.constant 256 : index
    %swap3A_648 = tpu.vector_load %arg6[%swap3A_646, %swap3A_647] {strides = array<i32>} : memref<2x1024xf32, #tpu.memory_space<vmem>>, vector<16xf32>,
    tpu.vector_store %arg6[%swap3A_646, %swap3A_647], %get3A_644 {strides = array<i32>} : memref<2x1024xf32, #tpu.memory_space<vmem>>, vector<16xf32>,
    %get3A_649 = arith.constant 1 : i32
    %get3A_650 = arith.index_cast %get3A_649 : i32 to index
    %get3A_651 = arith.constant 272 : index
    %get3A_652 = tpu.vector_load %arg4[%get3A_650, %get3A_651] {strides = array<i32>} : memref<2x1024xf32, #tpu.memory_space<vmem>>, vector<16xf32>,
    %swap3A_653 = arith.constant 1 : i32
    %swap3A_654 = arith.index_cast %swap3A_653 : i32 to index
    %swap3A_655 = arith.constant 272 : index
    %swap3A_656 = tpu.vector_load %arg6[%swap3A_654, %swap3A_655] {strides = array<i32>} : memref<2x1024xf32, #tpu.memory_space<vmem>>, vector<16xf32>,
    tpu.vector_store %arg6[%swap3A_654, %swap3A_655], %get3A_652 {strides = array<i32>} : memref<2x1024xf32, #tpu.memory_space<vmem>>, vector<16xf32>,
    %get3A_657 = arith.constant 1 : i32
    %get3A_658 = arith.index_cast %get3A_657 : i32 to index
    %get3A_659 = arith.constant 288 : index
    %get3A_660 = tpu.vector_load %arg4[%get3A_658, %get3A_659] {strides = array<i32>} : memref<2x1024xf32, #tpu.memory_space<vmem>>, vector<16xf32>,
    %swap3A_661 = arith.constant 1 : i32
    %swap3A_662 = arith.index_cast %swap3A_661 : i32 to index
    %swap3A_663 = arith.constant 288 : index
    %swap3A_664 = tpu.vector_load %arg6[%swap3A_662, %swap3A_663] {strides = array<i32>} : memref<2x1024xf32, #tpu.memory_space<vmem>>, vector<16xf32>,
    tpu.vector_store %arg6[%swap3A_662, %swap3A_663], %get3A_660 {strides = array<i32>} : memref<2x1024xf32, #tpu.memory_space<vmem>>, vector<16xf32>,
    %get3A_665 = arith.constant 1 : i32
    %get3A_666 = arith.index_cast %get3A_665 : i32 to index
    %get3A_667 = arith.constant 304 : index
    %get3A_668 = tpu.vector_load %arg4[%get3A_666, %get3A_667] {strides = array<i32>} : memref<2x1024xf32, #tpu.memory_space<vmem>>, vector<16xf32>,
    %swap3A_669 = arith.constant 1 : i32
    %swap3A_670 = arith.index_cast %swap3A_669 : i32 to index
    %swap3A_671 = arith.constant 304 : index
    %swap3A_672 = tpu.vector_load %arg6[%swap3A_670, %swap3A_671] {strides = array<i32>} : memref<2x1024xf32, #tpu.memory_space<vmem>>, vector<16xf32>,
    tpu.vector_store %arg6[%swap3A_670, %swap3A_671], %get3A_668 {strides = array<i32>} : memref<2x1024xf32, #tpu.memory_space<vmem>>, vector<16xf32>,
    %get3A_673 = arith.constant 1 : i32
    %get3A_674 = arith.index_cast %get3A_673 : i32 to index
    %get3A_675 = arith.constant 320 : index
    %get3A_676 = tpu.vector_load %arg4[%get3A_674, %get3A_675] {strides = array<i32>} : memref<2x1024xf32, #tpu.memory_space<vmem>>, vector<16xf32>,
    %swap3A_677 = arith.constant 1 : i32
    %swap3A_678 = arith.index_cast %swap3A_677 : i32 to index
    %swap3A_679 = arith.constant 320 : index
    %swap3A_680 = tpu.vector_load %arg6[%swap3A_678, %swap3A_679] {strides = array<i32>} : memref<2x1024xf32, #tpu.memory_space<vmem>>, vector<16xf32>,
    tpu.vector_store %arg6[%swap3A_678, %swap3A_679], %get3A_676 {strides = array<i32>} : memref<2x1024xf32, #tpu.memory_space<vmem>>, vector<16xf32>,
    %get3A_681 = arith.constant 1 : i32
    %get3A_682 = arith.index_cast %get3A_681 : i32 to index
    %get3A_683 = arith.constant 336 : index
    %get3A_684 = tpu.vector_load %arg4[%get3A_682, %get3A_683] {strides = array<i32>} : memref<2x1024xf32, #tpu.memory_space<vmem>>, vector<16xf32>,
    %swap3A_685 = arith.constant 1 : i32
    %swap3A_686 = arith.index_cast %swap3A_685 : i32 to index
    %swap3A_687 = arith.constant 336 : index
    %swap3A_688 = tpu.vector_load %arg6[%swap3A_686, %swap3A_687] {strides = array<i32>} : memref<2x1024xf32, #tpu.memory_space<vmem>>, vector<16xf32>,
    tpu.vector_store %arg6[%swap3A_686, %swap3A_687], %get3A_684 {strides = array<i32>} : memref<2x1024xf32, #tpu.memory_space<vmem>>, vector<16xf32>,
    %get3A_689 = arith.constant 1 : i32
    %get3A_690 = arith.index_cast %get3A_689 : i32 to index
    %get3A_691 = arith.constant 352 : index
    %get3A_692 = tpu.vector_load %arg4[%get3A_690, %get3A_691] {strides = array<i32>} : memref<2x1024xf32, #tpu.memory_space<vmem>>, vector<16xf32>,
    %swap3A_693 = arith.constant 1 : i32
    %swap3A_694 = arith.index_cast %swap3A_693 : i32 to index
    %swap3A_695 = arith.constant 352 : index
    %swap3A_696 = tpu.vector_load %arg6[%swap3A_694, %swap3A_695] {strides = array<i32>} : memref<2x1024xf32, #tpu.memory_space<vmem>>, vector<16xf32>,
    tpu.vector_store %arg6[%swap3A_694, %swap3A_695], %get3A_692 {strides = array<i32>} : memref<2x1024xf32, #tpu.memory_space<vmem>>, vector<16xf32>,
    %get3A_697 = arith.constant 1 : i32
    %get3A_698 = arith.index_cast %get3A_697 : i32 to index
    %get3A_699 = arith.constant 368 : index
    %get3A_700 = tpu.vector_load %arg4[%get3A_698, %get3A_699] {strides = array<i32>} : memref<2x1024xf32, #tpu.memory_space<vmem>>, vector<16xf32>,
    %swap3A_701 = arith.constant 1 : i32
    %swap3A_702 = arith.index_cast %swap3A_701 : i32 to index
    %swap3A_703 = arith.constant 368 : index
    %swap3A_704 = tpu.vector_load %arg6[%swap3A_702, %swap3A_703] {strides = array<i32>} : memref<2x1024xf32, #tpu.memory_space<vmem>>, vector<16xf32>,
    tpu.vector_store %arg6[%swap3A_702, %swap3A_703], %get3A_700 {strides = array<i32>} : memref<2x1024xf32, #tpu.memory_space<vmem>>, vector<16xf32>,
    %get3A_705 = arith.constant 1 : i32
    %get3A_706 = arith.index_cast %get3A_705 : i32 to index
    %get3A_707 = arith.constant 384 : index
    %get3A_708 = tpu.vector_load %arg4[%get3A_706, %get3A_707] {strides = array<i32>} : memref<2x1024xf32, #tpu.memory_space<vmem>>, vector<16xf32>,
    %swap3A_709 = arith.constant 1 : i32
    %swap3A_710 = arith.index_cast %swap3A_709 : i32 to index
    %swap3A_711 = arith.constant 384 : index
    %swap3A_712 = tpu.vector_load %arg6[%swap3A_710, %swap3A_711] {strides = array<i32>} : memref<2x1024xf32, #tpu.memory_space<vmem>>, vector<16xf32>,
    tpu.vector_store %arg6[%swap3A_710, %swap3A_711], %get3A_708 {strides = array<i32>} : memref<2x1024xf32, #tpu.memory_space<vmem>>, vector<16xf32>,
    %get3A_713 = arith.constant 1 : i32
    %get3A_714 = arith.index_cast %get3A_713 : i32 to index
    %get3A_715 = arith.constant 400 : index
    %get3A_716 = tpu.vector_load %arg4[%get3A_714, %get3A_715] {strides = array<i32>} : memref<2x1024xf32, #tpu.memory_space<vmem>>, vector<16xf32>,
    %swap3A_717 = arith.constant 1 : i32
    %swap3A_718 = arith.index_cast %swap3A_717 : i32 to index
    %swap3A_719 = arith.constant 400 : index
    %swap3A_720 = tpu.vector_load %arg6[%swap3A_718, %swap3A_719] {strides = array<i32>} : memref<2x1024xf32, #tpu.memory_space<vmem>>, vector<16xf32>,
    tpu.vector_store %arg6[%swap3A_718, %swap3A_719], %get3A_716 {strides = array<i32>} : memref<2x1024xf32, #tpu.memory_space<vmem>>, vector<16xf32>,
    %get3A_721 = arith.constant 1 : i32
    %get3A_722 = arith.index_cast %get3A_721 : i32 to index
    %get3A_723 = arith.constant 416 : index
    %get3A_724 = tpu.vector_load %arg4[%get3A_722, %get3A_723] {strides = array<i32>} : memref<2x1024xf32, #tpu.memory_space<vmem>>, vector<16xf32>,
    %swap3A_725 = arith.constant 1 : i32
    %swap3A_726 = arith.index_cast %swap3A_725 : i32 to index
    %swap3A_727 = arith.constant 416 : index
    %swap3A_728 = tpu.vector_load %arg6[%swap3A_726, %swap3A_727] {strides = array<i32>} : memref<2x1024xf32, #tpu.memory_space<vmem>>, vector<16xf32>,
    tpu.vector_store %arg6[%swap3A_726, %swap3A_727], %get3A_724 {strides = array<i32>} : memref<2x1024xf32, #tpu.memory_space<vmem>>, vector<16xf32>,
    %get3A_729 = arith.constant 1 : i32
    %get3A_730 = arith.index_cast %get3A_729 : i32 to index
    %get3A_731 = arith.constant 432 : index
    %get3A_732 = tpu.vector_load %arg4[%get3A_730, %get3A_731] {strides = array<i32>} : memref<2x1024xf32, #tpu.memory_space<vmem>>, vector<16xf32>,
    %swap3A_733 = arith.constant 1 : i32
    %swap3A_734 = arith.index_cast %swap3A_733 : i32 to index
    %swap3A_735 = arith.constant 432 : index
    %swap3A_736 = tpu.vector_load %arg6[%swap3A_734, %swap3A_735] {strides = array<i32>} : memref<2x1024xf32, #tpu.memory_space<vmem>>, vector<16xf32>,
    tpu.vector_store %arg6[%swap3A_734, %swap3A_735], %get3A_732 {strides = array<i32>} : memref<2x1024xf32, #tpu.memory_space<vmem>>, vector<16xf32>,
    %get3A_737 = arith.constant 1 : i32
    %get3A_738 = arith.index_cast %get3A_737 : i32 to index
    %get3A_739 = arith.constant 448 : index
    %get3A_740 = tpu.vector_load %arg4[%get3A_738, %get3A_739] {strides = array<i32>} : memref<2x1024xf32, #tpu.memory_space<vmem>>, vector<16xf32>,
    %swap3A_741 = arith.constant 1 : i32
    %swap3A_742 = arith.index_cast %swap3A_741 : i32 to index
    %swap3A_743 = arith.constant 448 : index
    %swap3A_744 = tpu.vector_load %arg6[%swap3A_742, %swap3A_743] {strides = array<i32>} : memref<2x1024xf32, #tpu.memory_space<vmem>>, vector<16xf32>,
    tpu.vector_store %arg6[%swap3A_742, %swap3A_743], %get3A_740 {strides = array<i32>} : memref<2x1024xf32, #tpu.memory_space<vmem>>, vector<16xf32>,
    %get3A_745 = arith.constant 1 : i32
    %get3A_746 = arith.index_cast %get3A_745 : i32 to index
    %get3A_747 = arith.constant 464 : index
    %get3A_748 = tpu.vector_load %arg4[%get3A_746, %get3A_747] {strides = array<i32>} : memref<2x1024xf32, #tpu.memory_space<vmem>>, vector<16xf32>,
    %swap3A_749 = arith.constant 1 : i32
    %swap3A_750 = arith.index_cast %swap3A_749 : i32 to index
    %swap3A_751 = arith.constant 464 : index
    %swap3A_752 = tpu.vector_load %arg6[%swap3A_750, %swap3A_751] {strides = array<i32>} : memref<2x1024xf32, #tpu.memory_space<vmem>>, vector<16xf32>,
    tpu.vector_store %arg6[%swap3A_750, %swap3A_751], %get3A_748 {strides = array<i32>} : memref<2x1024xf32, #tpu.memory_space<vmem>>, vector<16xf32>,
    %get3A_753 = arith.constant 1 : i32
    %get3A_754 = arith.index_cast %get3A_753 : i32 to index
    %get3A_755 = arith.constant 480 : index
    %get3A_756 = tpu.vector_load %arg4[%get3A_754, %get3A_755] {strides = array<i32>} : memref<2x1024xf32, #tpu.memory_space<vmem>>, vector<16xf32>,
    %swap3A_757 = arith.constant 1 : i32
    %swap3A_758 = arith.index_cast %swap3A_757 : i32 to index
    %swap3A_759 = arith.constant 480 : index
    %swap3A_760 = tpu.vector_load %arg6[%swap3A_758, %swap3A_759] {strides = array<i32>} : memref<2x1024xf32, #tpu.memory_space<vmem>>, vector<16xf32>,
    tpu.vector_store %arg6[%swap3A_758, %swap3A_759], %get3A_756 {strides = array<i32>} : memref<2x1024xf32, #tpu.memory_space<vmem>>, vector<16xf32>,
    %get3A_761 = arith.constant 1 : i32
    %get3A_762 = arith.index_cast %get3A_761 : i32 to index
    %get3A_763 = arith.constant 496 : index
    %get3A_764 = tpu.vector_load %arg4[%get3A_762, %get3A_763] {strides = array<i32>} : memref<2x1024xf32, #tpu.memory_space<vmem>>, vector<16xf32>,
    %swap3A_765 = arith.constant 1 : i32
    %swap3A_766 = arith.index_cast %swap3A_765 : i32 to index
    %swap3A_767 = arith.constant 496 : index
    %swap3A_768 = tpu.vector_load %arg6[%swap3A_766, %swap3A_767] {strides = array<i32>} : memref<2x1024xf32, #tpu.memory_space<vmem>>, vector<16xf32>,
    tpu.vector_store %arg6[%swap3A_766, %swap3A_767], %get3A_764 {strides = array<i32>} : memref<2x1024xf32, #tpu.memory_space<vmem>>, vector<16xf32>,
    %get3A_769 = arith.constant 1 : i32
    %get3A_770 = arith.index_cast %get3A_769 : i32 to index
    %get3A_771 = arith.constant 512 : index
    %get3A_772 = tpu.vector_load %arg4[%get3A_770, %get3A_771] {strides = array<i32>} : memref<2x1024xf32, #tpu.memory_space<vmem>>, vector<16xf32>,
    %swap3A_773 = arith.constant 1 : i32
    %swap3A_774 = arith.index_cast %swap3A_773 : i32 to index
    %swap3A_775 = arith.constant 512 : index
    %swap3A_776 = tpu.vector_load %arg6[%swap3A_774, %swap3A_775] {strides = array<i32>} : memref<2x1024xf32, #tpu.memory_space<vmem>>, vector<16xf32>,
    tpu.vector_store %arg6[%swap3A_774, %swap3A_775], %get3A_772 {strides = array<i32>} : memref<2x1024xf32, #tpu.memory_space<vmem>>, vector<16xf32>,
    %get3A_777 = arith.constant 1 : i32
    %get3A_778 = arith.index_cast %get3A_777 : i32 to index
    %get3A_779 = arith.constant 528 : index
    %get3A_780 = tpu.vector_load %arg4[%get3A_778, %get3A_779] {strides = array<i32>} : memref<2x1024xf32, #tpu.memory_space<vmem>>, vector<16xf32>,
    %swap3A_781 = arith.constant 1 : i32
    %swap3A_782 = arith.index_cast %swap3A_781 : i32 to index
    %swap3A_783 = arith.constant 528 : index
    %swap3A_784 = tpu.vector_load %arg6[%swap3A_782, %swap3A_783] {strides = array<i32>} : memref<2x1024xf32, #tpu.memory_space<vmem>>, vector<16xf32>,
    tpu.vector_store %arg6[%swap3A_782, %swap3A_783], %get3A_780 {strides = array<i32>} : memref<2x1024xf32, #tpu.memory_space<vmem>>, vector<16xf32>,
    %get3A_785 = arith.constant 1 : i32
    %get3A_786 = arith.index_cast %get3A_785 : i32 to index
    %get3A_787 = arith.constant 544 : index
    %get3A_788 = tpu.vector_load %arg4[%get3A_786, %get3A_787] {strides = array<i32>} : memref<2x1024xf32, #tpu.memory_space<vmem>>, vector<16xf32>,
    %swap3A_789 = arith.constant 1 : i32
    %swap3A_790 = arith.index_cast %swap3A_789 : i32 to index
    %swap3A_791 = arith.constant 544 : index
    %swap3A_792 = tpu.vector_load %arg6[%swap3A_790, %swap3A_791] {strides = array<i32>} : memref<2x1024xf32, #tpu.memory_space<vmem>>, vector<16xf32>,
    tpu.vector_store %arg6[%swap3A_790, %swap3A_791], %get3A_788 {strides = array<i32>} : memref<2x1024xf32, #tpu.memory_space<vmem>>, vector<16xf32>,
    %get3A_793 = arith.constant 1 : i32
    %get3A_794 = arith.index_cast %get3A_793 : i32 to index
    %get3A_795 = arith.constant 560 : index
    %get3A_796 = tpu.vector_load %arg4[%get3A_794, %get3A_795] {strides = array<i32>} : memref<2x1024xf32, #tpu.memory_space<vmem>>, vector<16xf32>,
    %swap3A_797 = arith.constant 1 : i32
    %swap3A_798 = arith.index_cast %swap3A_797 : i32 to index
    %swap3A_799 = arith.constant 560 : index
    %swap3A_800 = tpu.vector_load %arg6[%swap3A_798, %swap3A_799] {strides = array<i32>} : memref<2x1024xf32, #tpu.memory_space<vmem>>, vector<16xf32>,
    tpu.vector_store %arg6[%swap3A_798, %swap3A_799], %get3A_796 {strides = array<i32>} : memref<2x1024xf32, #tpu.memory_space<vmem>>, vector<16xf32>,
    %get3A_801 = arith.constant 1 : i32
    %get3A_802 = arith.index_cast %get3A_801 : i32 to index
    %get3A_803 = arith.constant 576 : index
    %get3A_804 = tpu.vector_load %arg4[%get3A_802, %get3A_803] {strides = array<i32>} : memref<2x1024xf32, #tpu.memory_space<vmem>>, vector<16xf32>,
    %swap3A_805 = arith.constant 1 : i32
    %swap3A_806 = arith.index_cast %swap3A_805 : i32 to index
    %swap3A_807 = arith.constant 576 : index
    %swap3A_808 = tpu.vector_load %arg6[%swap3A_806, %swap3A_807] {strides = array<i32>} : memref<2x1024xf32, #tpu.memory_space<vmem>>, vector<16xf32>,
    tpu.vector_store %arg6[%swap3A_806, %swap3A_807], %get3A_804 {strides = array<i32>} : memref<2x1024xf32, #tpu.memory_space<vmem>>, vector<16xf32>,
    %get3A_809 = arith.constant 1 : i32
    %get3A_810 = arith.index_cast %get3A_809 : i32 to index
    %get3A_811 = arith.constant 592 : index
    %get3A_812 = tpu.vector_load %arg4[%get3A_810, %get3A_811] {strides = array<i32>} : memref<2x1024xf32, #tpu.memory_space<vmem>>, vector<16xf32>,
    %swap3A_813 = arith.constant 1 : i32
    %swap3A_814 = arith.index_cast %swap3A_813 : i32 to index
    %swap3A_815 = arith.constant 592 : index
    %swap3A_816 = tpu.vector_load %arg6[%swap3A_814, %swap3A_815] {strides = array<i32>} : memref<2x1024xf32, #tpu.memory_space<vmem>>, vector<16xf32>,
    tpu.vector_store %arg6[%swap3A_814, %swap3A_815], %get3A_812 {strides = array<i32>} : memref<2x1024xf32, #tpu.memory_space<vmem>>, vector<16xf32>,
    %get3A_817 = arith.constant 1 : i32
    %get3A_818 = arith.index_cast %get3A_817 : i32 to index
    %get3A_819 = arith.constant 608 : index
    %get3A_820 = tpu.vector_load %arg4[%get3A_818, %get3A_819] {strides = array<i32>} : memref<2x1024xf32, #tpu.memory_space<vmem>>, vector<16xf32>,
    %swap3A_821 = arith.constant 1 : i32
    %swap3A_822 = arith.index_cast %swap3A_821 : i32 to index
    %swap3A_823 = arith.constant 608 : index
    %swap3A_824 = tpu.vector_load %arg6[%swap3A_822, %swap3A_823] {strides = array<i32>} : memref<2x1024xf32, #tpu.memory_space<vmem>>, vector<16xf32>,
    tpu.vector_store %arg6[%swap3A_822, %swap3A_823], %get3A_820 {strides = array<i32>} : memref<2x1024xf32, #tpu.memory_space<vmem>>, vector<16xf32>,
    %get3A_825 = arith.constant 1 : i32
    %get3A_826 = arith.index_cast %get3A_825 : i32 to index
    %get3A_827 = arith.constant 624 : index
    %get3A_828 = tpu.vector_load %arg4[%get3A_826, %get3A_827] {strides = array<i32>} : memref<2x1024xf32, #tpu.memory_space<vmem>>, vector<16xf32>,
    %swap3A_829 = arith.constant 1 : i32
    %swap3A_830 = arith.index_cast %swap3A_829 : i32 to index
    %swap3A_831 = arith.constant 624 : index
    %swap3A_832 = tpu.vector_load %arg6[%swap3A_830, %swap3A_831] {strides = array<i32>} : memref<2x1024xf32, #tpu.memory_space<vmem>>, vector<16xf32>,
    tpu.vector_store %arg6[%swap3A_830, %swap3A_831], %get3A_828 {strides = array<i32>} : memref<2x1024xf32, #tpu.memory_space<vmem>>, vector<16xf32>,
    %get3A_833 = arith.constant 1 : i32
    %get3A_834 = arith.index_cast %get3A_833 : i32 to index
    %get3A_835 = arith.constant 640 : index
    %get3A_836 = tpu.vector_load %arg4[%get3A_834, %get3A_835] {strides = array<i32>} : memref<2x1024xf32, #tpu.memory_space<vmem>>, vector<16xf32>,
    %swap3A_837 = arith.constant 1 : i32
    %swap3A_838 = arith.index_cast %swap3A_837 : i32 to index
    %swap3A_839 = arith.constant 640 : index
    %swap3A_840 = tpu.vector_load %arg6[%swap3A_838, %swap3A_839] {strides = array<i32>} : memref<2x1024xf32, #tpu.memory_space<vmem>>, vector<16xf32>,
    tpu.vector_store %arg6[%swap3A_838, %swap3A_839], %get3A_836 {strides = array<i32>} : memref<2x1024xf32, #tpu.memory_space<vmem>>, vector<16xf32>,
    %get3A_841 = arith.constant 1 : i32
    %get3A_842 = arith.index_cast %get3A_841 : i32 to index
    %get3A_843 = arith.constant 656 : index
    %get3A_844 = tpu.vector_load %arg4[%get3A_842, %get3A_843] {strides = array<i32>} : memref<2x1024xf32, #tpu.memory_space<vmem>>, vector<16xf32>,
    %swap3A_845 = arith.constant 1 : i32
    %swap3A_846 = arith.index_cast %swap3A_845 : i32 to index
    %swap3A_847 = arith.constant 656 : index
    %swap3A_848 = tpu.vector_load %arg6[%swap3A_846, %swap3A_847] {strides = array<i32>} : memref<2x1024xf32, #tpu.memory_space<vmem>>, vector<16xf32>,
    tpu.vector_store %arg6[%swap3A_846, %swap3A_847], %get3A_844 {strides = array<i32>} : memref<2x1024xf32, #tpu.memory_space<vmem>>, vector<16xf32>,
    %get3A_849 = arith.constant 1 : i32
    %get3A_850 = arith.index_cast %get3A_849 : i32 to index
    %get3A_851 = arith.constant 672 : index
    %get3A_852 = tpu.vector_load %arg4[%get3A_850, %get3A_851] {strides = array<i32>} : memref<2x1024xf32, #tpu.memory_space<vmem>>, vector<16xf32>,
    %swap3A_853 = arith.constant 1 : i32
    %swap3A_854 = arith.index_cast %swap3A_853 : i32 to index
    %swap3A_855 = arith.constant 672 : index
    %swap3A_856 = tpu.vector_load %arg6[%swap3A_854, %swap3A_855] {strides = array<i32>} : memref<2x1024xf32, #tpu.memory_space<vmem>>, vector<16xf32>,
    tpu.vector_store %arg6[%swap3A_854, %swap3A_855], %get3A_852 {strides = array<i32>} : memref<2x1024xf32, #tpu.memory_space<vmem>>, vector<16xf32>,
    %get3A_857 = arith.constant 1 : i32
    %get3A_858 = arith.index_cast %get3A_857 : i32 to index
    %get3A_859 = arith.constant 688 : index
    %get3A_860 = tpu.vector_load %arg4[%get3A_858, %get3A_859] {strides = array<i32>} : memref<2x1024xf32, #tpu.memory_space<vmem>>, vector<16xf32>,
    %swap3A_861 = arith.constant 1 : i32
    %swap3A_862 = arith.index_cast %swap3A_861 : i32 to index
    %swap3A_863 = arith.constant 688 : index
    %swap3A_864 = tpu.vector_load %arg6[%swap3A_862, %swap3A_863] {strides = array<i32>} : memref<2x1024xf32, #tpu.memory_space<vmem>>, vector<16xf32>,
    tpu.vector_store %arg6[%swap3A_862, %swap3A_863], %get3A_860 {strides = array<i32>} : memref<2x1024xf32, #tpu.memory_space<vmem>>, vector<16xf32>,
    %get3A_865 = arith.constant 1 : i32
    %get3A_866 = arith.index_cast %get3A_865 : i32 to index
    %get3A_867 = arith.constant 704 : index
    %get3A_868 = tpu.vector_load %arg4[%get3A_866, %get3A_867] {strides = array<i32>} : memref<2x1024xf32, #tpu.memory_space<vmem>>, vector<16xf32>,
    %swap3A_869 = arith.constant 1 : i32
    %swap3A_870 = arith.index_cast %swap3A_869 : i32 to index
    %swap3A_871 = arith.constant 704 : index
    %swap3A_872 = tpu.vector_load %arg6[%swap3A_870, %swap3A_871] {strides = array<i32>} : memref<2x1024xf32, #tpu.memory_space<vmem>>, vector<16xf32>,
    tpu.vector_store %arg6[%swap3A_870, %swap3A_871], %get3A_868 {strides = array<i32>} : memref<2x1024xf32, #tpu.memory_space<vmem>>, vector<16xf32>,
    %get3A_873 = arith.constant 1 : i32
    %get3A_874 = arith.index_cast %get3A_873 : i32 to index
    %get3A_875 = arith.constant 720 : index
    %get3A_876 = tpu.vector_load %arg4[%get3A_874, %get3A_875] {strides = array<i32>} : memref<2x1024xf32, #tpu.memory_space<vmem>>, vector<16xf32>,
    %swap3A_877 = arith.constant 1 : i32
    %swap3A_878 = arith.index_cast %swap3A_877 : i32 to index
    %swap3A_879 = arith.constant 720 : index
    %swap3A_880 = tpu.vector_load %arg6[%swap3A_878, %swap3A_879] {strides = array<i32>} : memref<2x1024xf32, #tpu.memory_space<vmem>>, vector<16xf32>,
    tpu.vector_store %arg6[%swap3A_878, %swap3A_879], %get3A_876 {strides = array<i32>} : memref<2x1024xf32, #tpu.memory_space<vmem>>, vector<16xf32>,
    %get3A_881 = arith.constant 1 : i32
    %get3A_882 = arith.index_cast %get3A_881 : i32 to index
    %get3A_883 = arith.constant 736 : index
    %get3A_884 = tpu.vector_load %arg4[%get3A_882, %get3A_883] {strides = array<i32>} : memref<2x1024xf32, #tpu.memory_space<vmem>>, vector<16xf32>,
    %swap3A_885 = arith.constant 1 : i32
    %swap3A_886 = arith.index_cast %swap3A_885 : i32 to index
    %swap3A_887 = arith.constant 736 : index
    %swap3A_888 = tpu.vector_load %arg6[%swap3A_886, %swap3A_887] {strides = array<i32>} : memref<2x1024xf32, #tpu.memory_space<vmem>>, vector<16xf32>,
    tpu.vector_store %arg6[%swap3A_886, %swap3A_887], %get3A_884 {strides = array<i32>} : memref<2x1024xf32, #tpu.memory_space<vmem>>, vector<16xf32>,
    %get3A_889 = arith.constant 1 : i32
    %get3A_890 = arith.index_cast %get3A_889 : i32 to index
    %get3A_891 = arith.constant 752 : index
    %get3A_892 = tpu.vector_load %arg4[%get3A_890, %get3A_891] {strides = array<i32>} : memref<2x1024xf32, #tpu.memory_space<vmem>>, vector<16xf32>,
    %swap3A_893 = arith.constant 1 : i32
    %swap3A_894 = arith.index_cast %swap3A_893 : i32 to index
    %swap3A_895 = arith.constant 752 : index
    %swap3A_896 = tpu.vector_load %arg6[%swap3A_894, %swap3A_895] {strides = array<i32>} : memref<2x1024xf32, #tpu.memory_space<vmem>>, vector<16xf32>,
    tpu.vector_store %arg6[%swap3A_894, %swap3A_895], %get3A_892 {strides = array<i32>} : memref<2x1024xf32, #tpu.memory_space<vmem>>, vector<16xf32>,
    %get3A_897 = arith.constant 1 : i32
    %get3A_898 = arith.index_cast %get3A_897 : i32 to index
    %get3A_899 = arith.constant 768 : index
    %get3A_900 = tpu.vector_load %arg4[%get3A_898, %get3A_899] {strides = array<i32>} : memref<2x1024xf32, #tpu.memory_space<vmem>>, vector<16xf32>,
    %swap3A_901 = arith.constant 1 : i32
    %swap3A_902 = arith.index_cast %swap3A_901 : i32 to index
    %swap3A_903 = arith.constant 768 : index
    %swap3A_904 = tpu.vector_load %arg6[%swap3A_902, %swap3A_903] {strides = array<i32>} : memref<2x1024xf32, #tpu.memory_space<vmem>>, vector<16xf32>,
    tpu.vector_store %arg6[%swap3A_902, %swap3A_903], %get3A_900 {strides = array<i32>} : memref<2x1024xf32, #tpu.memory_space<vmem>>, vector<16xf32>,
    %get3A_905 = arith.constant 1 : i32
    %get3A_906 = arith.index_cast %get3A_905 : i32 to index
    %get3A_907 = arith.constant 784 : index
    %get3A_908 = tpu.vector_load %arg4[%get3A_906, %get3A_907] {strides = array<i32>} : memref<2x1024xf32, #tpu.memory_space<vmem>>, vector<16xf32>,
    %swap3A_909 = arith.constant 1 : i32
    %swap3A_910 = arith.index_cast %swap3A_909 : i32 to index
    %swap3A_911 = arith.constant 784 : index
    %swap3A_912 = tpu.vector_load %arg6[%swap3A_910, %swap3A_911] {strides = array<i32>} : memref<2x1024xf32, #tpu.memory_space<vmem>>, vector<16xf32>,
    tpu.vector_store %arg6[%swap3A_910, %swap3A_911], %get3A_908 {strides = array<i32>} : memref<2x1024xf32, #tpu.memory_space<vmem>>, vector<16xf32>,
    %get3A_913 = arith.constant 1 : i32
    %get3A_914 = arith.index_cast %get3A_913 : i32 to index
    %get3A_915 = arith.constant 800 : index
    %get3A_916 = tpu.vector_load %arg4[%get3A_914, %get3A_915] {strides = array<i32>} : memref<2x1024xf32, #tpu.memory_space<vmem>>, vector<16xf32>,
    %swap3A_917 = arith.constant 1 : i32
    %swap3A_918 = arith.index_cast %swap3A_917 : i32 to index
    %swap3A_919 = arith.constant 800 : index
    %swap3A_920 = tpu.vector_load %arg6[%swap3A_918, %swap3A_919] {strides = array<i32>} : memref<2x1024xf32, #tpu.memory_space<vmem>>, vector<16xf32>,
    tpu.vector_store %arg6[%swap3A_918, %swap3A_919], %get3A_916 {strides = array<i32>} : memref<2x1024xf32, #tpu.memory_space<vmem>>, vector<16xf32>,
    %get3A_921 = arith.constant 1 : i32
    %get3A_922 = arith.index_cast %get3A_921 : i32 to index
    %get3A_923 = arith.constant 816 : index
    %get3A_924 = tpu.vector_load %arg4[%get3A_922, %get3A_923] {strides = array<i32>} : memref<2x1024xf32, #tpu.memory_space<vmem>>, vector<16xf32>,
    %swap3A_925 = arith.constant 1 : i32
    %swap3A_926 = arith.index_cast %swap3A_925 : i32 to index
    %swap3A_927 = arith.constant 816 : index
    %swap3A_928 = tpu.vector_load %arg6[%swap3A_926, %swap3A_927] {strides = array<i32>} : memref<2x1024xf32, #tpu.memory_space<vmem>>, vector<16xf32>,
    tpu.vector_store %arg6[%swap3A_926, %swap3A_927], %get3A_924 {strides = array<i32>} : memref<2x1024xf32, #tpu.memory_space<vmem>>, vector<16xf32>,
    %get3A_929 = arith.constant 1 : i32
    %get3A_930 = arith.index_cast %get3A_929 : i32 to index
    %get3A_931 = arith.constant 832 : index
    %get3A_932 = tpu.vector_load %arg4[%get3A_930, %get3A_931] {strides = array<i32>} : memref<2x1024xf32, #tpu.memory_space<vmem>>, vector<16xf32>,
    %swap3A_933 = arith.constant 1 : i32
    %swap3A_934 = arith.index_cast %swap3A_933 : i32 to index
    %swap3A_935 = arith.constant 832 : index
    %swap3A_936 = tpu.vector_load %arg6[%swap3A_934, %swap3A_935] {strides = array<i32>} : memref<2x1024xf32, #tpu.memory_space<vmem>>, vector<16xf32>,
    tpu.vector_store %arg6[%swap3A_934, %swap3A_935], %get3A_932 {strides = array<i32>} : memref<2x1024xf32, #tpu.memory_space<vmem>>, vector<16xf32>,
    %get3A_937 = arith.constant 1 : i32
    %get3A_938 = arith.index_cast %get3A_937 : i32 to index
    %get3A_939 = arith.constant 848 : index
    %get3A_940 = tpu.vector_load %arg4[%get3A_938, %get3A_939] {strides = array<i32>} : memref<2x1024xf32, #tpu.memory_space<vmem>>, vector<16xf32>,
    %swap3A_941 = arith.constant 1 : i32
    %swap3A_942 = arith.index_cast %swap3A_941 : i32 to index
    %swap3A_943 = arith.constant 848 : index
    %swap3A_944 = tpu.vector_load %arg6[%swap3A_942, %swap3A_943] {strides = array<i32>} : memref<2x1024xf32, #tpu.memory_space<vmem>>, vector<16xf32>,
    tpu.vector_store %arg6[%swap3A_942, %swap3A_943], %get3A_940 {strides = array<i32>} : memref<2x1024xf32, #tpu.memory_space<vmem>>, vector<16xf32>,
    %get3A_945 = arith.constant 1 : i32
    %get3A_946 = arith.index_cast %get3A_945 : i32 to index
    %get3A_947 = arith.constant 864 : index
    %get3A_948 = tpu.vector_load %arg4[%get3A_946, %get3A_947] {strides = array<i32>} : memref<2x1024xf32, #tpu.memory_space<vmem>>, vector<16xf32>,
    %swap3A_949 = arith.constant 1 : i32
    %swap3A_950 = arith.index_cast %swap3A_949 : i32 to index
    %swap3A_951 = arith.constant 864 : index
    %swap3A_952 = tpu.vector_load %arg6[%swap3A_950, %swap3A_951] {strides = array<i32>} : memref<2x1024xf32, #tpu.memory_space<vmem>>, vector<16xf32>,
    tpu.vector_store %arg6[%swap3A_950, %swap3A_951], %get3A_948 {strides = array<i32>} : memref<2x1024xf32, #tpu.memory_space<vmem>>, vector<16xf32>,
    %get3A_953 = arith.constant 1 : i32
    %get3A_954 = arith.index_cast %get3A_953 : i32 to index
    %get3A_955 = arith.constant 880 : index
    %get3A_956 = tpu.vector_load %arg4[%get3A_954, %get3A_955] {strides = array<i32>} : memref<2x1024xf32, #tpu.memory_space<vmem>>, vector<16xf32>,
    %swap3A_957 = arith.constant 1 : i32
    %swap3A_958 = arith.index_cast %swap3A_957 : i32 to index
    %swap3A_959 = arith.constant 880 : index
    %swap3A_960 = tpu.vector_load %arg6[%swap3A_958, %swap3A_959] {strides = array<i32>} : memref<2x1024xf32, #tpu.memory_space<vmem>>, vector<16xf32>,
    tpu.vector_store %arg6[%swap3A_958, %swap3A_959], %get3A_956 {strides = array<i32>} : memref<2x1024xf32, #tpu.memory_space<vmem>>, vector<16xf32>,
    %get3A_961 = arith.constant 1 : i32
    %get3A_962 = arith.index_cast %get3A_961 : i32 to index
    %get3A_963 = arith.constant 896 : index
    %get3A_964 = tpu.vector_load %arg4[%get3A_962, %get3A_963] {strides = array<i32>} : memref<2x1024xf32, #tpu.memory_space<vmem>>, vector<16xf32>,
    %swap3A_965 = arith.constant 1 : i32
    %swap3A_966 = arith.index_cast %swap3A_965 : i32 to index
    %swap3A_967 = arith.constant 896 : index
    %swap3A_968 = tpu.vector_load %arg6[%swap3A_966, %swap3A_967] {strides = array<i32>} : memref<2x1024xf32, #tpu.memory_space<vmem>>, vector<16xf32>,
    tpu.vector_store %arg6[%swap3A_966, %swap3A_967], %get3A_964 {strides = array<i32>} : memref<2x1024xf32, #tpu.memory_space<vmem>>, vector<16xf32>,
    %get3A_969 = arith.constant 1 : i32
    %get3A_970 = arith.index_cast %get3A_969 : i32 to index
    %get3A_971 = arith.constant 912 : index
    %get3A_972 = tpu.vector_load %arg4[%get3A_970, %get3A_971] {strides = array<i32>} : memref<2x1024xf32, #tpu.memory_space<vmem>>, vector<16xf32>,
    %swap3A_973 = arith.constant 1 : i32
    %swap3A_974 = arith.index_cast %swap3A_973 : i32 to index
    %swap3A_975 = arith.constant 912 : index
    %swap3A_976 = tpu.vector_load %arg6[%swap3A_974, %swap3A_975] {strides = array<i32>} : memref<2x1024xf32, #tpu.memory_space<vmem>>, vector<16xf32>,
    tpu.vector_store %arg6[%swap3A_974, %swap3A_975], %get3A_972 {strides = array<i32>} : memref<2x1024xf32, #tpu.memory_space<vmem>>, vector<16xf32>,
    %get3A_977 = arith.constant 1 : i32
    %get3A_978 = arith.index_cast %get3A_977 : i32 to index
    %get3A_979 = arith.constant 928 : index
    %get3A_980 = tpu.vector_load %arg4[%get3A_978, %get3A_979] {strides = array<i32>} : memref<2x1024xf32, #tpu.memory_space<vmem>>, vector<16xf32>,
    %swap3A_981 = arith.constant 1 : i32
    %swap3A_982 = arith.index_cast %swap3A_981 : i32 to index
    %swap3A_983 = arith.constant 928 : index
    %swap3A_984 = tpu.vector_load %arg6[%swap3A_982, %swap3A_983] {strides = array<i32>} : memref<2x1024xf32, #tpu.memory_space<vmem>>, vector<16xf32>,
    tpu.vector_store %arg6[%swap3A_982, %swap3A_983], %get3A_980 {strides = array<i32>} : memref<2x1024xf32, #tpu.memory_space<vmem>>, vector<16xf32>,
    %get3A_985 = arith.constant 1 : i32
    %get3A_986 = arith.index_cast %get3A_985 : i32 to index
    %get3A_987 = arith.constant 944 : index
    %get3A_988 = tpu.vector_load %arg4[%get3A_986, %get3A_987] {strides = array<i32>} : memref<2x1024xf32, #tpu.memory_space<vmem>>, vector<16xf32>,
    %swap3A_989 = arith.constant 1 : i32
    %swap3A_990 = arith.index_cast %swap3A_989 : i32 to index
    %swap3A_991 = arith.constant 944 : index
    %swap3A_992 = tpu.vector_load %arg6[%swap3A_990, %swap3A_991] {strides = array<i32>} : memref<2x1024xf32, #tpu.memory_space<vmem>>, vector<16xf32>,
    tpu.vector_store %arg6[%swap3A_990, %swap3A_991], %get3A_988 {strides = array<i32>} : memref<2x1024xf32, #tpu.memory_space<vmem>>, vector<16xf32>,
    %get3A_993 = arith.constant 1 : i32
    %get3A_994 = arith.index_cast %get3A_993 : i32 to index
    %get3A_995 = arith.constant 960 : index
    %get3A_996 = tpu.vector_load %arg4[%get3A_994, %get3A_995] {strides = array<i32>} : memref<2x1024xf32, #tpu.memory_space<vmem>>, vector<16xf32>,
    %swap3A_997 = arith.constant 1 : i32
    %swap3A_998 = arith.index_cast %swap3A_997 : i32 to index
    %swap3A_999 = arith.constant 960 : index
    %swap3A_1000 = tpu.vector_load %arg6[%swap3A_998, %swap3A_999] {strides = array<i32>} : memref<2x1024xf32, #tpu.memory_space<vmem>>, vector<16xf32>,
    tpu.vector_store %arg6[%swap3A_998, %swap3A_999], %get3A_996 {strides = array<i32>} : memref<2x1024xf32, #tpu.memory_space<vmem>>, vector<16xf32>,
    %get3A_1001 = arith.constant 1 : i32
    %get3A_1002 = arith.index_cast %get3A_1001 : i32 to index
    %get3A_1003 = arith.constant 976 : index
    %get3A_1004 = tpu.vector_load %arg4[%get3A_1002, %get3A_1003] {strides = array<i32>} : memref<2x1024xf32, #tpu.memory_space<vmem>>, vector<16xf32>,
    %swap3A_1005 = arith.constant 1 : i32
    %swap3A_1006 = arith.index_cast %swap3A_1005 : i32 to index
    %swap3A_1007 = arith.constant 976 : index
    %swap3A_1008 = tpu.vector_load %arg6[%swap3A_1006, %swap3A_1007] {strides = array<i32>} : memref<2x1024xf32, #tpu.memory_space<vmem>>, vector<16xf32>,
    tpu.vector_store %arg6[%swap3A_1006, %swap3A_1007], %get3A_1004 {strides = array<i32>} : memref<2x1024xf32, #tpu.memory_space<vmem>>, vector<16xf32>,
    %get3A_1009 = arith.constant 1 : i32
    %get3A_1010 = arith.index_cast %get3A_1009 : i32 to index
    %get3A_1011 = arith.constant 992 : index
    %get3A_1012 = tpu.vector_load %arg4[%get3A_1010, %get3A_1011] {strides = array<i32>} : memref<2x1024xf32, #tpu.memory_space<vmem>>, vector<16xf32>,
    %swap3A_1013 = arith.constant 1 : i32
    %swap3A_1014 = arith.index_cast %swap3A_1013 : i32 to index
    %swap3A_1015 = arith.constant 992 : index
    %swap3A_1016 = tpu.vector_load %arg6[%swap3A_1014, %swap3A_1015] {strides = array<i32>} : memref<2x1024xf32, #tpu.memory_space<vmem>>, vector<16xf32>,
    tpu.vector_store %arg6[%swap3A_1014, %swap3A_1015], %get3A_1012 {strides = array<i32>} : memref<2x1024xf32, #tpu.memory_space<vmem>>, vector<16xf32>,
    %get3A_1017 = arith.constant 1 : i32
    %get3A_1018 = arith.index_cast %get3A_1017 : i32 to index
    %get3A_1019 = arith.constant 1008 : index
    %get3A_1020 = tpu.vector_load %arg4[%get3A_1018, %get3A_1019] {strides = array<i32>} : memref<2x1024xf32, #tpu.memory_space<vmem>>, vector<16xf32>,
    %swap3A_1021 = arith.constant 1 : i32
    %swap3A_1022 = arith.index_cast %swap3A_1021 : i32 to index
    %swap3A_1023 = arith.constant 1008 : index
    %swap3A_1024 = tpu.vector_load %arg6[%swap3A_1022, %swap3A_1023] {strides = array<i32>} : memref<2x1024xf32, #tpu.memory_space<vmem>>, vector<16xf32>,
    tpu.vector_store %arg6[%swap3A_1022, %swap3A_1023], %get3A_1020 {strides = array<i32>} : memref<2x1024xf32, #tpu.memory_space<vmem>>, vector<16xf32>,
    "tpu.region"() ({
      %run_scoped3A = tpu.sem_alloc : memref<!tpu.dma_semaphore, #tpu.memory_space<semaphore_mem>>
      %dma_start3A = arith.constant 0 : i32
      %dma_start3A_1025 = tpu.memref_slice %arg3[%mul3A_2, %dma_start3A] : memref<64x1024xf32, #tpu.memory_space<hbm>> -> memref<2x1024xf32, #tpu.memory_space<hbm>>
      %dma_start3A_1026 = arith.constant 0 : i32
      %dma_start3A_1027 = tpu.memref_slice %arg3[%mul3A_2, %dma_start3A_1026] : memref<64x1024xf32, #tpu.memory_space<hbm>> -> memref<2x1024xf32, #tpu.memory_space<hbm>>
      tpu.enqueue_dma source(%arg6 : memref<2x1024xf32, #tpu.memory_space<vmem>>) target(%dma_start3A_1027 : memref<2x1024xf32, #tpu.memory_space<hbm>>) target_semaphore(%run_scoped3A : memref<!tpu.dma_semaphore, #tpu.memory_space<semaphore_mem>>)
      %dma_wait3A = arith.constant 0 : i32
      %dma_wait3A_1028 = tpu.memref_slice %arg3[%mul3A_2, %dma_wait3A] : memref<64x1024xf32, #tpu.memory_space<hbm>> -> memref<2x1024xf32, #tpu.memory_space<hbm>>
      %dma_wait3A_1029 = arith.constant 0 : i32
      %dma_wait3A_1030 = tpu.memref_slice %arg3[%mul3A_2, %dma_wait3A_1029] : memref<64x1024xf32, #tpu.memory_space<hbm>> -> memref<2x1024xf32, #tpu.memory_space<hbm>>
      tpu.wait_dma2 semaphore(%run_scoped3A : memref<!tpu.dma_semaphore, #tpu.memory_space<semaphore_mem>>) src(%arg6 : memref<2x1024xf32, #tpu.memory_space<vmem>>) dst(%dma_wait3A_1030 : memref<2x1024xf32, #tpu.memory_space<hbm>>)
      tpu.yield
    }) : () -> ()
    return
  }
}

module attributes {stable_mosaic.version = 14 : i64} {
  func.func @_scores_body(%arg0: i32, %arg1: memref<64x512xf32, #tpu.memory_space<vmem>>, %arg2: memref<64x1024xf32, #tpu.memory_space<vmem>>, %arg3: memref<1024x512xf32, #tpu.memory_space<vmem>>, %arg4: memref<64x1024xf32, #tpu.memory_space<vmem>>, %arg5: memref<1x1024xf32, #tpu.memory_space<vmem>>) attributes {dimension_semantics = [#tpu.dimension_semantics<arbitrary>], iteration_bounds = array<i64: 1>, scalar_prefetch = 0 : i64, scratch_operands = 0 : i64, tpu.core_type = #tpu.core_type<tc>, window_params = [{pipeline_mode = #tpu.pipeline_mode<synchronous>, transform_indices = @transform_0, window_bounds = array<i64: 64, 512>}, {pipeline_mode = #tpu.pipeline_mode<synchronous>, transform_indices = @transform_1, window_bounds = array<i64: 64, 1024>}, {transform_indices = @transform_2, window_bounds = array<i64: 1024, 512>}, {pipeline_mode = #tpu.pipeline_mode<synchronous>, transform_indices = @transform_3, window_bounds = array<i64: 64, 1024>}, {pipeline_mode = #tpu.pipeline_mode<synchronous>, transform_indices = @transform_4, window_bounds = array<i64: 1, 1024>}]} {
    %get3A = arith.constant 0 : index
    %get3A_0 = arith.constant 0 : index
    %get3A_1 = vector.load %arg1[%get3A, %get3A_0] : memref<64x512xf32, #tpu.memory_space<vmem>>, vector<64x512xf32>
    %get3A_2 = arith.constant 0 : index
    %get3A_3 = arith.constant 0 : index
    %get3A_4 = vector.load %arg3[%get3A_2, %get3A_3] : memref<1024x512xf32, #tpu.memory_space<vmem>>, vector<1024x512xf32>
    %dot_general3A = arith.constant dense<0.000000e+00> : vector<64x1024xf32>
    %dot_general3A_5 = tpu.matmul %get3A_1, %get3A_4, %dot_general3A {dimension_numbers = #tpu.dot_dimension_numbers<[1], [1], [0], [0], [0, 0, 1, 0], [], []>, transpose_lhs_hint = false} : vector<64x512xf32>, vector<1024x512xf32>, vector<64x1024xf32> -> vector<64x1024xf32>
    %get3A_6 = arith.constant 0 : index
    %get3A_7 = arith.constant 0 : index
    %get3A_8 = vector.load %arg2[%get3A_6, %get3A_7] : memref<64x1024xf32, #tpu.memory_space<vmem>>, vector<64x1024xf32>
    %mul3A = arith.constant 1.000000e+09 : f32
    %mul3A_9 = vector.broadcast %mul3A : f32 to vector<64x1024xf32>
    %mul3A_10 = arith.mulf %get3A_8, %mul3A_9 : vector<64x1024xf32>
    %sub3A = arith.subf %dot_general3A_5, %mul3A_10 : vector<64x1024xf32>
    %swap3A = arith.constant 0 : index
    %swap3A_11 = arith.constant 0 : index
    %swap3A_12 = vector.load %arg4[%swap3A, %swap3A_11] : memref<64x1024xf32, #tpu.memory_space<vmem>>, vector<64x1024xf32>
    tpu.vector_store %arg4[%swap3A, %swap3A_11], %sub3A {strides = array<i32>} : memref<64x1024xf32, #tpu.memory_space<vmem>>, vector<64x1024xf32>,
    %slice3A = vector.extract_strided_slice %dot_general3A_5 {offsets = [0, 0], sizes = [1, 1024], strides = [1, 1]} : vector<64x1024xf32> to vector<1x1024xf32>
    %mul3A_13 = arith.constant 0.0441941731 : f32
    %mul3A_14 = vector.broadcast %mul3A_13 : f32 to vector<1x1024xf32>
    %mul3A_15 = arith.mulf %slice3A, %mul3A_14 : vector<1x1024xf32>
    %reduce_max3A = vector.shape_cast %mul3A_15 : vector<1x1024xf32> to vector<1x1x1024xf32>
    %reduce_max3A_16 = arith.constant dense<0xFF800000> : vector<1xf32>
    %reduce_max3A_17 = vector.multi_reduction <maximumf>, %reduce_max3A, %reduce_max3A_16 [1, 2] : vector<1x1x1024xf32> to vector<1xf32>
    %reduce_max3A_18 = vector.shape_cast %reduce_max3A_17 : vector<1xf32> to vector<1x1x1xf32>
    %reduce_max3A_19 = vector.extract %reduce_max3A_18[0, 0, 0] : f32 from vector<1x1x1xf32>
    %sub3A_20 = vector.broadcast %reduce_max3A_19 : f32 to vector<1x1024xf32>
    %sub3A_21 = arith.subf %mul3A_15, %sub3A_20 : vector<1x1024xf32>
    %exp3A = math.exp %sub3A_21 : vector<1x1024xf32>
    %swap3A_22 = arith.constant 0 : index
    %swap3A_23 = arith.constant 0 : index
    %swap3A_24 = vector.load %arg5[%swap3A_22, %swap3A_23] : memref<1x1024xf32, #tpu.memory_space<vmem>>, vector<1x1024xf32>
    tpu.vector_store %arg5[%swap3A_22, %swap3A_23], %exp3A {strides = array<i32>} : memref<1x1024xf32, #tpu.memory_space<vmem>>, vector<1x1024xf32>,
    return
  }
  func.func @transform_0(%arg0: i32) -> (i32, i32) {
    %c0_i32 = arith.constant 0 : i32
    %c0_i32_0 = arith.constant 0 : i32
    %c0_i32_1 = arith.constant 0 : i32
    return %c0_i32, %c0_i32_0 : i32, i32
  }
  func.func @transform_1(%arg0: i32) -> (i32, i32) {
    %c0_i32 = arith.constant 0 : i32
    %c0_i32_0 = arith.constant 0 : i32
    %c0_i32_1 = arith.constant 0 : i32
    return %c0_i32, %c0_i32_0 : i32, i32
  }
  func.func @transform_2(%arg0: i32) -> (i32, i32) {
    %c0_i32 = arith.constant 0 : i32
    %c0_i32_0 = arith.constant 0 : i32
    %c0_i32_1 = arith.constant 0 : i32
    return %c0_i32, %c0_i32_0 : i32, i32
  }
  func.func @transform_3(%arg0: i32) -> (i32, i32) {
    %c0_i32 = arith.constant 0 : i32
    %c0_i32_0 = arith.constant 0 : i32
    %c0_i32_1 = arith.constant 0 : i32
    return %c0_i32, %c0_i32_0 : i32, i32
  }
  func.func @transform_4(%arg0: i32) -> (i32, i32) {
    %c0_i32 = arith.constant 0 : i32
    %c0_i32_0 = arith.constant 0 : i32
    %c0_i32_1 = arith.constant 0 : i32
    return %c0_i32, %c0_i32_0 : i32, i32
  }
}

module attributes {stable_mosaic.version = 14 : i64} {
  func.func @_combine_body(%arg0: memref<64x1024xf32, #tpu.memory_space<vmem>>, %arg1: memref<1x1024xf32, #tpu.memory_space<vmem>>, %arg2: memref<64x1xf32, #tpu.memory_space<vmem>>, %arg3: memref<64x1xf32, #tpu.memory_space<vmem>>, %arg4: memref<64x1xf32, #tpu.memory_space<vmem>>, %arg5: memref<64x1024xf32, #tpu.memory_space<vmem>>, %arg6: memref<1024x1024xf32, #tpu.memory_space<vmem>>, %arg7: memref<64x512xf32, #tpu.memory_space<vmem>>, %arg8: memref<64x1xf32, #tpu.memory_space<vmem>>, %arg9: memref<64x1xf32, #tpu.memory_space<vmem>>, %arg10: memref<64x1xf32, #tpu.memory_space<vmem>>, %arg11: memref<64x1024xf32, #tpu.memory_space<vmem>>, %arg12: memref<64x1024xf32, #tpu.memory_space<vmem>>) attributes {dimension_semantics = [], scalar_prefetch = 0 : i64, scratch_operands = 0 : i64, tpu.core_type = #tpu.core_type<tc>} {
    %get3A = arith.constant 0 : index
    %get3A_0 = arith.constant 0 : index
    %get3A_1 = vector.load %arg0[%get3A, %get3A_0] : memref<64x1024xf32, #tpu.memory_space<vmem>>, vector<64x1024xf32>
    %ge3A = arith.constant 5.000000e-01 : f32
    %ge3A_2 = vector.broadcast %ge3A : f32 to vector<64x1024xf32>
    %ge3A_3 = arith.cmpf oge, %get3A_1, %ge3A_2 : vector<64x1024xf32>
    %ge3A_4 = arith.constant 1.500000e+00 : f32
    %ge3A_5 = vector.broadcast %ge3A_4 : f32 to vector<64x1024xf32>
    %ge3A_6 = arith.cmpf oge, %get3A_1, %ge3A_5 : vector<64x1024xf32>
    %get3A_7 = arith.constant 0 : index
    %get3A_8 = arith.constant 0 : index
    %get3A_9 = vector.load %arg1[%get3A_7, %get3A_8] : memref<1x1024xf32, #tpu.memory_space<vmem>>, vector<1x1024xf32>
    %jit3A = arith.constant 0.000000e+00 : f32
    %broadcast_in_dim3A = vector.shape_cast %get3A_9 : vector<1x1024xf32> to vector<1x1024xf32>
    %broadcast_in_dim3A_10 = vector.broadcast %broadcast_in_dim3A : vector<1x1024xf32> to vector<64x1024xf32>
    %broadcast_in_dim3A_11 = vector.broadcast %jit3A : f32 to vector<64x1024xf32>
    %select_n3A = arith.select %ge3A_3, %broadcast_in_dim3A_10, %broadcast_in_dim3A_11 : vector<64x1024xi1>, vector<64x1024xf32>
    %reduce_sum3A = arith.constant dense<0.000000e+00> : vector<64xf32>
    %reduce_sum3A_12 = vector.multi_reduction <add>, %select_n3A, %reduce_sum3A [1] : vector<64x1024xf32> to vector<64xf32>
    %broadcast_in_dim3A_13 = vector.shape_cast %reduce_sum3A_12 : vector<64xf32> to vector<64x1xf32>
    %div3A = vector.broadcast %broadcast_in_dim3A_13 : vector<64x1xf32> to vector<64x1024xf32>
    %div3A_14 = arith.divf %select_n3A, %div3A : vector<64x1024xf32>
    %jit3A_15 = arith.constant 0.000000e+00 : f32
    %broadcast_in_dim3A_16 = vector.broadcast %jit3A_15 : f32 to vector<64x1024xf32>
    %select_n3A_17 = arith.select %ge3A_6, %div3A_14, %broadcast_in_dim3A_16 : vector<64x1024xi1>, vector<64x1024xf32>
    %reduce_sum3A_18 = arith.constant dense<0.000000e+00> : vector<64xf32>
    %reduce_sum3A_19 = vector.multi_reduction <add>, %select_n3A_17, %reduce_sum3A_18 [1] : vector<64x1024xf32> to vector<64xf32>
    %broadcast_in_dim3A_20 = vector.shape_cast %reduce_sum3A_19 : vector<64xf32> to vector<64x1xf32>
    %mul3A = arith.mulf %div3A_14, %div3A_14 : vector<64x1024xf32>
    %reduce_sum3A_21 = arith.constant dense<0.000000e+00> : vector<64xf32>
    %reduce_sum3A_22 = vector.multi_reduction <add>, %mul3A, %reduce_sum3A_21 [1] : vector<64x1024xf32> to vector<64xf32>
    %broadcast_in_dim3A_23 = vector.shape_cast %reduce_sum3A_22 : vector<64xf32> to vector<64x1xf32>
    %sub3A = arith.constant 1.000000e+00 : f32
    %sub3A_24 = vector.broadcast %sub3A : f32 to vector<64x1xf32>
    %sub3A_25 = arith.subf %sub3A_24, %broadcast_in_dim3A_23 : vector<64x1xf32>
    %get3A_26 = arith.constant 0 : index
    %get3A_27 = arith.constant 0 : index
    %get3A_28 = vector.load %arg2[%get3A_26, %get3A_27] : memref<64x1xf32, #tpu.memory_space<vmem>>, vector<64x1xf32>
    %lt3A = arith.constant 2.000000e+00 : f32
    %lt3A_29 = vector.broadcast %lt3A : f32 to vector<64x1xf32>
    %lt3A_30 = arith.cmpf olt, %get3A_28, %lt3A_29 : vector<64x1xf32>
    %convert_element_type3A = arith.extui %lt3A_30 : vector<64x1xi1> to vector<64x1xi32>
    %convert_element_type3A_31 = arith.sitofp %convert_element_type3A : vector<64x1xi32> to vector<64x1xf32>
    %add3A = arith.addf %get3A_28, %broadcast_in_dim3A_20 : vector<64x1xf32>
    %ge3A_32 = arith.constant 2.000000e+00 : f32
    %ge3A_33 = vector.broadcast %ge3A_32 : f32 to vector<64x1xf32>
    %ge3A_34 = arith.cmpf oge, %add3A, %ge3A_33 : vector<64x1xf32>
    %convert_element_type3A_35 = arith.extui %ge3A_34 : vector<64x1xi1> to vector<64x1xi32>
    %convert_element_type3A_36 = arith.sitofp %convert_element_type3A_35 : vector<64x1xi32> to vector<64x1xf32>
    %mul3A_37 = arith.mulf %convert_element_type3A_36, %convert_element_type3A_31 : vector<64x1xf32>
    %sub3A_38 = arith.subf %convert_element_type3A_31, %mul3A_37 : vector<64x1xf32>
    %get3A_39 = arith.constant 0 : index
    %get3A_40 = arith.constant 0 : index
    %get3A_41 = vector.load %arg3[%get3A_39, %get3A_40] : memref<64x1xf32, #tpu.memory_space<vmem>>, vector<64x1xf32>
    %add3A_42 = arith.addf %mul3A_37, %sub3A_38 : vector<64x1xf32>
    %mul3A_43 = arith.mulf %add3A_42, %sub3A_25 : vector<64x1xf32>
    %add3A_44 = arith.addf %get3A_41, %mul3A_43 : vector<64x1xf32>
    %swap3A = arith.constant 0 : index
    %swap3A_45 = arith.constant 0 : index
    %swap3A_46 = vector.load %arg9[%swap3A, %swap3A_45] : memref<64x1xf32, #tpu.memory_space<vmem>>, vector<64x1xf32>
    tpu.vector_store %arg9[%swap3A, %swap3A_45], %add3A_44 {strides = array<i32>} : memref<64x1xf32, #tpu.memory_space<vmem>>, vector<64x1xf32>,
    %mul3A_47 = arith.mulf %broadcast_in_dim3A_20, %sub3A_38 : vector<64x1xf32>
    %add3A_48 = arith.addf %get3A_28, %mul3A_47 : vector<64x1xf32>
    %sub3A_49 = arith.constant 2.000000e+00 : f32
    %sub3A_50 = vector.broadcast %sub3A_49 : f32 to vector<64x1xf32>
    %sub3A_51 = arith.subf %sub3A_50, %add3A_48 : vector<64x1xf32>
    %mul3A_52 = arith.mulf %mul3A_37, %sub3A_51 : vector<64x1xf32>
    %add3A_53 = arith.addf %add3A_48, %mul3A_52 : vector<64x1xf32>
    %swap3A_54 = arith.constant 0 : index
    %swap3A_55 = arith.constant 0 : index
    %swap3A_56 = vector.load %arg8[%swap3A_54, %swap3A_55] : memref<64x1xf32, #tpu.memory_space<vmem>>, vector<64x1xf32>
    tpu.vector_store %arg8[%swap3A_54, %swap3A_55], %add3A_53 {strides = array<i32>} : memref<64x1xf32, #tpu.memory_space<vmem>>, vector<64x1xf32>,
    %get3A_57 = arith.constant 0 : index
    %get3A_58 = arith.constant 0 : index
    %get3A_59 = vector.load %arg4[%get3A_57, %get3A_58] : memref<64x1xf32, #tpu.memory_space<vmem>>, vector<64x1xf32>
    %add3A_60 = arith.addf %get3A_59, %sub3A_38 : vector<64x1xf32>
    %add3A_61 = arith.addf %add3A_60, %mul3A_37 : vector<64x1xf32>
    %swap3A_62 = arith.constant 0 : index
    %swap3A_63 = arith.constant 0 : index
    %swap3A_64 = vector.load %arg10[%swap3A_62, %swap3A_63] : memref<64x1xf32, #tpu.memory_space<vmem>>, vector<64x1xf32>
    tpu.vector_store %arg10[%swap3A_62, %swap3A_63], %add3A_61 {strides = array<i32>} : memref<64x1xf32, #tpu.memory_space<vmem>>, vector<64x1xf32>,
    %get3A_65 = arith.constant 0 : index
    %get3A_66 = arith.constant 0 : index
    %get3A_67 = vector.load %arg6[%get3A_65, %get3A_66] : memref<1024x1024xf32, #tpu.memory_space<vmem>>, vector<1024x1024xf32>
    %dot_general3A = arith.constant dense<0.000000e+00> : vector<64x1024xf32>
    %dot_general3A_68 = tpu.matmul %div3A_14, %get3A_67, %dot_general3A {dimension_numbers = #tpu.dot_dimension_numbers<[1], [0], [0], [1], [0, 0, 1, 1], [], []>, transpose_lhs_hint = false} : vector<64x1024xf32>, vector<1024x1024xf32>, vector<64x1024xf32> -> vector<64x1024xf32>
    %swap3A_69 = arith.constant 0 : index
    %swap3A_70 = arith.constant 0 : index
    %swap3A_71 = vector.load %arg12[%swap3A_69, %swap3A_70] : memref<64x1024xf32, #tpu.memory_space<vmem>>, vector<64x1024xf32>
    tpu.vector_store %arg12[%swap3A_69, %swap3A_70], %dot_general3A_68 {strides = array<i32>} : memref<64x1024xf32, #tpu.memory_space<vmem>>, vector<64x1024xf32>,
    %slice3A = vector.extract_strided_slice %dot_general3A_68 {offsets = [0, 0], sizes = [64, 512], strides = [1, 1]} : vector<64x1024xf32> to vector<64x512xf32>
    %swap3A_72 = arith.constant 0 : index
    %swap3A_73 = arith.constant 0 : index
    %swap3A_74 = vector.load %arg7[%swap3A_72, %swap3A_73] : memref<64x512xf32, #tpu.memory_space<vmem>>, vector<64x512xf32>
    tpu.vector_store %arg7[%swap3A_72, %swap3A_73], %slice3A {strides = array<i32>} : memref<64x512xf32, #tpu.memory_space<vmem>>, vector<64x512xf32>,
    %get3A_75 = arith.constant 0 : index
    %get3A_76 = arith.constant 0 : index
    %get3A_77 = vector.load %arg5[%get3A_75, %get3A_76] : memref<64x1024xf32, #tpu.memory_space<vmem>>, vector<64x1024xf32>
    %convert_element_type3A_78 = arith.extui %ge3A_3 : vector<64x1024xi1> to vector<64x1024xi32>
    %convert_element_type3A_79 = arith.sitofp %convert_element_type3A_78 : vector<64x1024xi32> to vector<64x1024xf32>
    %add3A_80 = arith.addf %get3A_77, %convert_element_type3A_79 : vector<64x1024xf32>
    %swap3A_81 = arith.constant 0 : index
    %swap3A_82 = arith.constant 0 : index
    %swap3A_83 = vector.load %arg11[%swap3A_81, %swap3A_82] : memref<64x1024xf32, #tpu.memory_space<vmem>>, vector<64x1024xf32>
    tpu.vector_store %arg11[%swap3A_81, %swap3A_82], %add3A_80 {strides = array<i32>} : memref<64x1024xf32, #tpu.memory_space<vmem>>, vector<64x1024xf32>,
    return
  }
}

</mosaic_0001>

<sc_bundles>
// kernel: kernel.5.cloned.1.call-start
scs
__scs_entry_jumppad:
0x0: {  	(pc) =	sbr.rel $0x88, $3  }
0x1: {  	(tag) =	ssettag $0x0;
	lr =	simm.s32 $0x1  }
0x2: {  	[smem:$0x3F9B] =	sst lr;
	_ =	strace $0xD0000000  }
0x3: {  	_ = 	snop  }
0x4: {  	_ = 	snop  }
0x5: {  	_ = 	snop  }
0x6: {  	_ = 	snop  }
0x7: {  	_ = 	snop  }
__scs_overlays_trampoline_lowered:
0x8: {  	[smem:$0x3FAA] =	sst s0  }
0x9: {  	[smem:$0x3FAB] =	sst s1  }
0xa: {  	[smem:$0x3FAC] =	sst s2  }
0xb: {  	[smem:$0x3FAD] =	sst s3  }
0xc: {  	[smem:$0x3FAE] =	sst s4  }
0xd: {  	[smem:$0x3FAF] =	sst s5  }
0xe: {  	[smem:$0x3FB0] =	sst s6  }
0xf: {  	[smem:$0x3FB1] =	sst s7  }
0x10: {  	[smem:$0x3FB2] =	sst s8  }
0x11: {  	[smem:$0x3FB3] =	sst s9;
	s0 =	simm.s32 @!p0 $0x0  }
0x12: {  	s1 =	sld [smem:$0x3F99];
	s0 =	simm.s32 @p0 $0x1  }
0x13: {  	[smem:$0x3FB4] =	sst s0;
	s0 =	simm.s32 @!p1 $0x0  }
0x14: {  	s2 =	sld [smem:$0x3F98];
	s0 =	simm.s32 @p1 $0x1  }
0x15: {  	[smem:$0x3FB5] =	sst s0;
	s0 =	simm.s32 @!p2 $0x0  }
0x16: {  	s3 =	sld [smem:$0x3FDB];
	s0 =	simm.s32 @p2 $0x1  }
0x17: {  	s4 =	simm.s32 $0x1BF5;
	[smem:$0x3FB7] =	sst s0  }
0x18: {  	s0 =	sld [smem:$0x3F9A];
	_ =	swait.ge [sflag:s4], $0x0  }
0x19: {  	s7 =	sld [smem:$0x3F9B]  }
0x1a: {  	s8 =	sadd.s32 $0xFFFFE003, lr  }
0x1b: {  	s9 =	sadd.s32 $0xFFFFFEF7, lr;
	s5 =	simm.s32 $0xFFFFFFFF;
	p2 =	slt.u32 s8, $0xFFFFF086  }
0x1c: {  	p1 =	slt.u32 s9, $0xF7A;
	s5 =	simm.s32 @!p2 $0x0  }
0x1d: {  	s5 =	simm.s32 @p1 $0x1;
	p0 =	seq.s32 s7, s2  }
0x1e: {  	s7 =	smul.u32 @!p0 $0xF7A, s2;
	p2 =	seq.s32 @!p0 s5, $0x0  }
0x1f: {  	s9 =	smul.u32 $0xF7A, s1;
	s8 =	simm.s32 @!p0 $0x1BF5;
	p2 =	por !p2, p0  }
0x20: {  	[sflag:s8] =	ssyncset.s32 @!p0 $0xFFFFF086;
	s6 =	sadd.s32 @!p0 s3, s7;
	s7 =	simm.s32 @!p0 $0x108  }
0x21: {  	s3 =	sadd.s32 s3, s9;
	s6 =	sadd.s32 @!p0 $0x88, s6;
	s7 =	simm.s32 @p2 $0x1082  }
0x22: {  	[simem:s7], [sflag:s8] =	dma.local @!p0 [hbm:s6], $0xF7A  }
0x23: {  	s9 =	sor.u32 $0xD0000000, s2;
	s6 =	simm.s32 $0x108;
	_ =	swait.ge @!p0 [sflag:s8], $0x0  }
0x24: {  	s3 =	sadd.s32 $0x88, s3;
	s6 =	simm.s32 @!p1 $0x1082;
	[sflag:s4] =	ssyncset.s32 $0xFFFFF086  }
0x25: {  	[simem:s6], [sflag:s4] =	dma.local [hbm:s3], $0xF7A  }
0x26: {  	[smem:$0x3F9B] =	sst s1;
	(tag) =	ssettag s2;
	_ =	strace s9  }
0x27: {  	s1 =	sld [smem:$0x3FAB]  }
0x28: {  	s2 =	sld [smem:$0x3FAC]  }
0x29: {  	s4 =	sld [smem:$0x3FAE]  }
0x2a: {  	p0 =	seq.s32 s5, $0x0;
	s5 =	sld [smem:$0x3FAF]  }
0x2b: {  	s6 =	sld [smem:$0x3FB0]  }
0x2c: {  	s7 =	sld [smem:$0x3FB1]  }
0x2d: {  	s3 =	simm.s32 $0x108;
	s8 =	sld [smem:$0x3FB2]  }
0x2e: {  	s3 =	simm.s32 @!p0 $0x1082;
	s9 =	sld [smem:$0x3FB3]  }
0x2f: {  	lr =	sadd.s32 s0, s3;
	s0 =	sld [smem:$0x3FAA]  }
0x30: {  	s3 =	sld [smem:$0x3FAD]  }
0x31: {  	[smem:$0x3FB6] =	sst s10  }
0x32: {  	s10 =	sld [smem:$0x3FB4];
	_ =	sdelay $0x3  }
0x33: {  	p0 =	seq.s32 s10, $0x1;
	s10 =	sld [smem:$0x3FB6];
	_ =	sdelay $0x3  }
0x34: {  	[smem:$0x3FB6] =	sst s10  }
0x35: {  	s10 =	sld [smem:$0x3FB5];
	_ =	sdelay $0x3  }
0x36: {  	p1 =	seq.s32 s10, $0x1;
	s10 =	sld [smem:$0x3FB6];
	_ =	sdelay $0x3  }
0x37: {  	[smem:$0x3FB6] =	sst s10  }
0x38: {  	s10 =	sld [smem:$0x3FB7]  }
0x39: {  	_ = 	snop;
	(pc) =	sbr.ind lr, $3  }
0x3a: {  	_ = 	snop  }
0x3b: {  	_ = 	snop  }
0x3c: {  	p2 =	seq.s32 s10, $0x1;
	s10 =	sld [smem:$0x3FB6]  }
0x3d: {  	_ =	shalt  }
0x3e: {  	_ =	shalt  }
0x3f: {  	_ =	shalt  }
0x40: {  	_ =	shalt  }
0x41: {  	_ =	shalt  }
0x42: {  	_ =	shalt  }
0x43: {  	_ =	shalt  }
0x44: {  	_ =	shalt  }
0x45: {  	_ =	shalt  }
0x46: {  	_ =	shalt  }
0x47: {  	_ =	shalt  }
0x48: {  	_ =	shalt  }
0x49: {  	_ =	shalt  }
0x4a: {  	_ =	shalt  }
0x4b: {  	_ =	shalt  }
0x4c: {  	_ =	shalt  }
0x4d: {  	_ =	shalt  }
0x4e: {  	_ =	shalt  }
0x4f: {  	_ =	shalt  }
0x50: {  	_ =	shalt  }
0x51: {  	_ =	shalt  }
0x52: {  	_ =	shalt  }
0x53: {  	_ =	shalt  }
0x54: {  	_ =	shalt  }
0x55: {  	_ =	shalt  }
0x56: {  	_ =	shalt  }
0x57: {  	_ =	shalt  }
0x58: {  	_ =	shalt  }
0x59: {  	_ =	shalt  }
0x5a: {  	_ =	shalt  }
0x5b: {  	_ =	shalt  }
0x5c: {  	_ =	shalt  }
0x5d: {  	_ =	shalt  }
0x5e: {  	_ =	shalt  }
0x5f: {  	_ =	shalt  }
0x60: {  	_ =	shalt  }
0x61: {  	_ =	shalt  }
0x62: {  	_ =	shalt  }
0x63: {  	_ =	shalt  }
0x64: {  	_ =	shalt  }
0x65: {  	_ =	shalt  }
0x66: {  	_ =	shalt  }
0x67: {  	_ =	shalt  }
0x68: {  	_ =	shalt  }
0x69: {  	_ =	shalt  }
0x6a: {  	_ =	shalt  }
0x6b: {  	_ =	shalt  }
0x6c: {  	_ =	shalt  }
0x6d: {  	_ =	shalt  }
0x6e: {  	_ =	shalt  }
0x6f: {  	_ =	shalt  }
0x70: {  	_ =	shalt  }
0x71: {  	_ =	shalt  }
0x72: {  	_ =	shalt  }
0x73: {  	_ =	shalt  }
0x74: {  	_ =	shalt  }
0x75: {  	_ =	shalt  }
0x76: {  	_ =	shalt  }
0x77: {  	_ =	shalt  }
0x78: {  	_ =	shalt  }
0x79: {  	_ =	shalt  }
0x7a: {  	_ =	shalt  }
0x7b: {  	_ =	shalt  }
0x7c: {  	_ =	shalt  }
0x7d: {  	_ =	shalt  }
0x7e: {  	_ =	shalt  }
0x7f: {  	_ =	shalt  }
0x80: {  	_ =	shalt  }
0x81: {  	_ =	shalt  }
0x82: {  	_ =	shalt  }
0x83: {  	_ =	shalt  }
0x84: {  	_ =	shalt  }
0x85: {  	_ =	shalt  }
0x86: {  	_ =	shalt  }
0x87: {  	_ =	shalt  }
.Lfunc_end0:
.L_simem_size_0:
called_computation_lowered:
.L_overlay_start_0:
0x88: {  	s2 =	sld [smem:$0x3FD9]  }
0x89: {  	s3 =	sld [smem:$0x3FFE];
	_ =	sdelay $0x1  }
0x8a: {  	s1 =	srdreg.scid  }
0x8b: {  	s0 =	sand.u32 $0x1, s1  }
0x8c: {  	s15 =	sshll.u32 s0, $0xA;
	s2 =	sadd.s32 s3, s2  }
0x8d: {  	s2 =	sadd.s32 s2, s15  }
0x8e: {  	[smem:$0x3FC2] =	sst s2  }
0x8f: {  	_ = 	snop  }
0x90: {  	s2 =	sld [smem:$0x3FD0];
	_ =	sdelay $0x2  }
0x91: {  	s16 =	simm.s32 $0xA;
	s4 =	simm.s32 $0x10  }
0x92: {  	[smem:s4], [sflag:s16] =	dma.local [hbm:s2], $0x1  }
0x93: {  	_ =	swait.eq [sflag:s16], $0x1  }
0x94: {  	[sflag:s16] =	ssyncset.done $0x0  }
0x95: {  	s17 =	sld [smem:$0x14];
	[sflag:s16] =	ssyncadd.s32 $0xFFFFFFFF  }
0x96: {  	s18 =	sld [smem:$0x15];
	(tm) =	ssettm $0x1  }
0x97: {  	s19 =	sld [smem:$0x3FFB];
	_ =	sdelay $0x3  }
0x98: {  	_ =	strace s19  }
0x99: {  	s4 =	sld [smem:$0x3FFC];
	_ =	sdelay $0x3  }
0x9a: {  	_ =	strace s4  }
0x9b: {  	s4 =	sld [smem:$0x3FFD];
	_ =	sdelay $0x3  }
0x9c: {  	_ =	strace s4  }
0x9d: {  	_ =	strace $0x8FFFFFFF  }
0x9e: {  	s20 =	sld [smem:$0x3FDB];
	_ =	sdelay $0x1  }
0x9f: {  	s5 =	simm.s32 $_scs_section_size  }
0xa0: {  	s6 =	simm.s32 $_size__tile_overlayer_lowered;
	s7 =	simm.s32 $_tile_overlayer_lowered  }
0xa1: {  	s23 =	simm.s32 $0x1BFF;
	s22 =	sshll.u32 s7, $0x1;
	s4 =	sadd.s32 s5, s20  }
0xa2: {  	s8 =	simm.s32 $0x0;
	s21 =	sshll.u32 s6, $0x1;
	s6 =	sadd.s32 s22, s4  }
0xa3: {  	[timem:s8], [sflag:s23] =	dma.local [hbm:s6], s21  }
0xa4: {  	_ =	swait.ge [sflag:s23], s21  }
0xa5: {  	s5 =	ssub.s32 $0x0, s21;
	[sflag:s23] =	ssyncset.done $0x0  }
0xa6: {  	[sflag:s23] =	ssyncadd.s32 s5;
	_ =	sdelay $0x1  }
0xa7: {  	s24 =	simm.s32 $0x1B8B  }
0xa8: {  	_ =	swait.ge [sflag:s24], $0x1  }
0xa9: {  	[sflag:s24] =	ssyncset.done $0x0  }
0xaa: {  	s25 =	simm.s32 $0x1B8E;
	[sflag:s24] =	ssyncadd.s32 $0xFFFFFFFF  }
0xab: {  	s26 =	simm.s32 $execute0_lowered;
	[smem:$0x3FD2] =	sst s25  }
0xac: {  	s5 =	sshll.u32 s26, $0x1;
	_ =	strace $0x80000046;
	[dreg:$0x1] =	wrdreg $0xFFFFFFFF  }
0xad: {  	s28 =	simm.s32 $_size_execute0_lowered;
	s4 =	sadd.s32 s4, s5;
	[dreg:$0x0] =	wrdreg $0x0  }
0xae: {  	s5 =	sshll.u32 s28, $0x1;
	[dreg:$0x2] =	wrdreg s4  }
0xaf: {  	[dreg:$0x3] =	wrdreg s5  }
0xb0: {  	[dreg:$0x4] =	wrdreg $0xC0  }
0xb1: {  	_ =	task [dreg:s8], $0x5FFFF  }
0xb2: {  	[dreg:$0x1] =	wrdreg $0xFFFFFFFF  }
0xb3: {  	[dreg:$0x0] =	wrdreg $0x60  }
0xb4: {  	[dreg:$0x2] =	wrdreg s18  }
0xb5: {  	[dreg:$0x3] =	wrdreg s17  }
0xb6: {  	[dreg:$0x4] =	wrdreg $0x9  }
0xb7: {  	_ =	task.clear_ibuf [dreg:s8], $0x5FFFF;
	_ =	strace $0x90000046  }
0xb8: {  	s29 =	simm.s32 $0x9;
	_ =	strace $0x80000048  }
0xb9: {  	_ =	swait.ge [sflag:s29], $0x1  }
0xba: {  	[sflag:s29] =	ssyncadd.s32 $0xFFFFFFFF  }
0xbb: {  	_ =	strace $0x90000048  }
0xbc: {  	_ =	sfence  }
0xbd: {  	s30 =	sld [smem:$0x0];
	_ =	sdelay $0x2  }
0xbe: {  	s31 =	sshll.u32 s1, $0xD;
	s1 =	sshrl.u32 s1, $0x2  }
0xbf: {  	s3 =	sand.u32 $0x4000, s31;
	s1 =	sadd.s32 s1, s30  }
0xc0: {  	s0 =	sor.u32 s3, s0;
	s1 =	sshll.u32 s1, $0x11  }
0xc1: {  	s0 =	sor.u32 s1, s0  }
0xc2: {  	s0 =	sadd.s32 $0x8F2B, s0  }
0xc3: {  	[sflag:s0] =	ssyncadd.remote.s32 $0x1  }
0xc4: {  	_ =	sfence.sel $0xFFFF  }
0xc5: {  	[dreg:$0x0] =	wrdreg $0xFFFFFFFF;
	(pc) =	sbr.abs _section_cstart, $3  }
0xc6: {  	[dreg:$0x1] =	wrdreg $0xFFFFFFFF  }
0xc7: {  	_ =	task.clear_ibuf [dreg:s8], $0x2FFFF;
	_ =	strace $0x9FFFFFFF  }
0xc8: {  	(tm) =	ssettm $0x7FFFFFFF  }
0xc9: {  	_ =	shalt  }
tec
execute0_lowered:
.L_overlay_start_1:
0x0: {  	(tag) =	ssettag $0x1  }
0x1: {  	s3 =	rddreg [dreg:$0x0]  }
0x2: {  	s4 =	rddreg [dreg:$0x1]  }
0x3: {  	s0 =	rddreg [dreg:$0x2]  }
0x4: {  	s5 =	srdreg.scid;
	s1 =	stileid.u32  }
0x5: {  	s2 =	simm.s32 $0x0;
	s9 =	simm.s32 $0x800;
	s5 =	sand.u32 $0x1, s5  }
0x6: {  	s6 =	sshll.u32 s1, $0x6;
	s8 =	sshll.u32 s1, $0x9;
	[smem:$0x7FF] =	sst s2  }
0x7: {  	s7 =	sshll.u32 s5, $0x5;
	s6 =	sand.u32 $0x40, s6;
	s5 =	ssub.s32 $0x2, s5  }
0x8: {  	s8 =	sand.u32 $0x1C00, s8;
	_ =	strace $0x80000047;
	s6 =	sor.u32 s7, s6  }
0x9: {  	s31 =	sshrl.u32 s5, $0x1;
	s7 =	simm.s32 $0x400;
	s6 =	sor.u32 s8, s6  }
0xa: {  	s5 =	ssub.s32 s5, s31;
	s8 =	simm.s32 $0x1;
	s3 =	sadd.s32 s3, s6  }
0xb: {  	s4 =	sadd.s32 s4, s6;
	s5 =	smax.u32 s5, $0x1;
	s6 =	simm.s32 $0x100  }
.LBB2_1:
0xc: {  	[tilespmem:s2], [sflag:$0x1] =	stream.strided.gather [hbm4b:s3+s6], $0x800, s7, s6, $0x38;
	[tilespmem:$0x1000] =	vst v63  }
0xd: {  	_ =	swait.ge [sflag:s8], $0x800  }
0xe: {  	[sflag:s8] =	ssyncset.done $0x0  }
0xf: {  	[sflag:s8] =	ssyncadd.s32 $0xFFFFF800  }
0x10: {  	v0 =	vld [tilespmem:$0x0]  }
0x11: {  	v1 =	vld [tilespmem:$0x10]  }
0x12: {  	v2 =	vld [tilespmem:$0x20]  }
0x13: {  	v3 =	vld [tilespmem:$0x30]  }
0x14: {  	v4 =	vld [tilespmem:$0x40]  }
0x15: {  	v53 =	vld [tilespmem:$0x50];
	[tilespmem:$0x800] =	vst v0  }
0x16: {  	v54 =	vld [tilespmem:$0x60];
	[tilespmem:$0x810] =	vst v1  }
0x17: {  	v55 =	vld [tilespmem:$0x70];
	[tilespmem:$0x820] =	vst v2  }
0x18: {  	v56 =	vld [tilespmem:$0x100];
	[tilespmem:$0x830] =	vst v3  }
0x19: {  	v57 =	vld [tilespmem:$0x110];
	[tilespmem:$0x840] =	vst v4  }
0x1a: {  	v58 =	vld [tilespmem:$0x120];
	[tilespmem:$0x850] =	vst v53  }
0x1b: {  	v59 =	vld [tilespmem:$0x130];
	[tilespmem:$0x860] =	vst v54  }
0x1c: {  	v60 =	vld [tilespmem:$0x140];
	[tilespmem:$0x870] =	vst v55  }
0x1d: {  	v61 =	vld [tilespmem:$0x150];
	[tilespmem:$0x900] =	vst v56  }
0x1e: {  	v62 =	vld [tilespmem:$0x160];
	[tilespmem:$0x910] =	vst v57  }
0x1f: {  	v63 =	vld [tilespmem:$0x170];
	[tilespmem:$0x920] =	vst v58  }
0x20: {  	v8 =	vld [tilespmem:$0x200];
	[tilespmem:$0x930] =	vst v59  }
0x21: {  	v9 =	vld [tilespmem:$0x210];
	[tilespmem:$0x940] =	vst v60  }
0x22: {  	v10 =	vld [tilespmem:$0x220];
	[tilespmem:$0x950] =	vst v61  }
0x23: {  	v11 =	vld [tilespmem:$0x230];
	[tilespmem:$0x960] =	vst v62  }
0x24: {  	v12 =	vld [tilespmem:$0x240];
	[tilespmem:$0x970] =	vst v63  }
0x25: {  	v13 =	vld [tilespmem:$0x250];
	[tilespmem:$0xA00] =	vst v8  }
0x26: {  	v14 =	vld [tilespmem:$0x260];
	[tilespmem:$0xA10] =	vst v9  }
0x27: {  	v15 =	vld [tilespmem:$0x270];
	[tilespmem:$0xA20] =	vst v10  }
0x28: {  	v16 =	vld [tilespmem:$0x300];
	[tilespmem:$0xA30] =	vst v11  }
0x29: {  	v17 =	vld [tilespmem:$0x310];
	[tilespmem:$0xA40] =	vst v12  }
0x2a: {  	v18 =	vld [tilespmem:$0x320];
	[tilespmem:$0xA50] =	vst v13  }
0x2b: {  	v19 =	vld [tilespmem:$0x330];
	[tilespmem:$0xA60] =	vst v14  }
0x2c: {  	v20 =	vld [tilespmem:$0x340];
	[tilespmem:$0xA70] =	vst v15  }
0x2d: {  	v21 =	vld [tilespmem:$0x350];
	[tilespmem:$0xB00] =	vst v16  }
0x2e: {  	v22 =	vld [tilespmem:$0x360];
	[tilespmem:$0xB10] =	vst v17  }
0x2f: {  	v23 =	vld [tilespmem:$0x370];
	[tilespmem:$0xB20] =	vst v18  }
0x30: {  	v24 =	vld [tilespmem:$0x400];
	[tilespmem:$0xB30] =	vst v19  }
0x31: {  	v25 =	vld [tilespmem:$0x410];
	[tilespmem:$0xB40] =	vst v20  }
0x32: {  	v26 =	vld [tilespmem:$0x420];
	[tilespmem:$0xB50] =	vst v21  }
0x33: {  	v27 =	vld [tilespmem:$0x430];
	[tilespmem:$0xB60] =	vst v22  }
0x34: {  	v28 =	vld [tilespmem:$0x440];
	[tilespmem:$0xB70] =	vst v23  }
0x35: {  	v29 =	vld [tilespmem:$0x450];
	[tilespmem:$0xC00] =	vst v24  }
0x36: {  	v30 =	vld [tilespmem:$0x460];
	[tilespmem:$0xC10] =	vst v25  }
0x37: {  	v31 =	vld [tilespmem:$0x470];
	[tilespmem:$0xC20] =	vst v26  }
0x38: {  	v32 =	vld [tilespmem:$0x500];
	[tilespmem:$0xC30] =	vst v27  }
0x39: {  	v33 =	vld [tilespmem:$0x510];
	[tilespmem:$0xC40] =	vst v28  }
0x3a: {  	v34 =	vld [tilespmem:$0x520];
	[tilespmem:$0xC50] =	vst v29  }
0x3b: {  	v35 =	vld [tilespmem:$0x530];
	[tilespmem:$0xC60] =	vst v30  }
0x3c: {  	v36 =	vld [tilespmem:$0x540];
	[tilespmem:$0xC70] =	vst v31  }
0x3d: {  	v37 =	vld [tilespmem:$0x550];
	[tilespmem:$0xD00] =	vst v32  }
0x3e: {  	v38 =	vld [tilespmem:$0x560];
	[tilespmem:$0xD10] =	vst v33  }
0x3f: {  	v39 =	vld [tilespmem:$0x570];
	[tilespmem:$0xD20] =	vst v34  }
0x40: {  	v40 =	vld [tilespmem:$0x600];
	[tilespmem:$0xD30] =	vst v35  }
0x41: {  	v41 =	vld [tilespmem:$0x610];
	[tilespmem:$0xD40] =	vst v36  }
0x42: {  	v42 =	vld [tilespmem:$0x620];
	[tilespmem:$0xD50] =	vst v37  }
0x43: {  	v43 =	vld [tilespmem:$0x630];
	[tilespmem:$0xD60] =	vst v38  }
0x44: {  	v44 =	vld [tilespmem:$0x640];
	[tilespmem:$0xD70] =	vst v39  }
0x45: {  	v45 =	vld [tilespmem:$0x650];
	[tilespmem:$0xE00] =	vst v40  }
0x46: {  	v46 =	vld [tilespmem:$0x660];
	[tilespmem:$0xE10] =	vst v41  }
0x47: {  	v47 =	vld [tilespmem:$0x670];
	[tilespmem:$0xE20] =	vst v42  }
0x48: {  	v48 =	vld [tilespmem:$0x700];
	[tilespmem:$0xE30] =	vst v43  }
0x49: {  	v49 =	vld [tilespmem:$0x710];
	[tilespmem:$0xE40] =	vst v44  }
0x4a: {  	v50 =	vld [tilespmem:$0x720];
	[tilespmem:$0xE50] =	vst v45  }
0x4b: {  	v51 =	vld [tilespmem:$0x730];
	[tilespmem:$0xE60] =	vst v46  }
0x4c: {  	v52 =	vld [tilespmem:$0x740];
	[tilespmem:$0xE70] =	vst v47  }
0x4d: {  	[tilespmem:$0xF00] =	vst v48;
	v53 =	vld [tilespmem:$0x750]  }
0x4e: {  	[tilespmem:$0xF10] =	vst v49;
	v54 =	vld [tilespmem:$0x760]  }
0x4f: {  	[tilespmem:$0xF20] =	vst v50;
	v55 =	vld [tilespmem:$0x770]  }
0x50: {  	[tilespmem:$0xF30] =	vst v51;
	v56 =	vld [tilespmem:$0x80]  }
0x51: {  	[tilespmem:$0xF40] =	vst v52;
	v57 =	vld [tilespmem:$0x90]  }
0x52: {  	v58 =	vld [tilespmem:$0xA0];
	[tilespmem:$0xF50] =	vst v53  }
0x53: {  	v59 =	vld [tilespmem:$0xB0];
	[tilespmem:$0xF60] =	vst v54  }
0x54: {  	v60 =	vld [tilespmem:$0xC0];
	[tilespmem:$0xF70] =	vst v55  }
0x55: {  	v61 =	vld [tilespmem:$0xD0];
	[tilespmem:$0x880] =	vst v56  }
0x56: {  	v62 =	vld [tilespmem:$0xE0];
	[tilespmem:$0x890] =	vst v57  }
0x57: {  	v63 =	vld [tilespmem:$0xF0];
	[tilespmem:$0x8A0] =	vst v58  }
0x58: {  	v8 =	vld [tilespmem:$0x180];
	[tilespmem:$0x8B0] =	vst v59  }
0x59: {  	v9 =	vld [tilespmem:$0x190];
	[tilespmem:$0x8C0] =	vst v60  }
0x5a: {  	v10 =	vld [tilespmem:$0x1A0];
	[tilespmem:$0x8D0] =	vst v61  }
0x5b: {  	v11 =	vld [tilespmem:$0x1B0];
	[tilespmem:$0x8E0] =	vst v62  }
0x5c: {  	v12 =	vld [tilespmem:$0x1C0];
	[tilespmem:$0x8F0] =	vst v63  }
0x5d: {  	v13 =	vld [tilespmem:$0x1D0];
	[tilespmem:$0x980] =	vst v8  }
0x5e: {  	v14 =	vld [tilespmem:$0x1E0];
	[tilespmem:$0x990] =	vst v9  }
0x5f: {  	v15 =	vld [tilespmem:$0x1F0];
	[tilespmem:$0x9A0] =	vst v10  }
0x60: {  	v16 =	vld [tilespmem:$0x280];
	[tilespmem:$0x9B0] =	vst v11  }
0x61: {  	v17 =	vld [tilespmem:$0x290];
	[tilespmem:$0x9C0] =	vst v12  }
0x62: {  	v18 =	vld [tilespmem:$0x2A0];
	[tilespmem:$0x9D0] =	vst v13  }
0x63: {  	v19 =	vld [tilespmem:$0x2B0];
	[tilespmem:$0x9E0] =	vst v14  }
0x64: {  	v20 =	vld [tilespmem:$0x2C0];
	[tilespmem:$0x9F0] =	vst v15  }
0x65: {  	v21 =	vld [tilespmem:$0x2D0];
	[tilespmem:$0xA80] =	vst v16  }
0x66: {  	v22 =	vld [tilespmem:$0x2E0];
	[tilespmem:$0xA90] =	vst v17  }
0x67: {  	v23 =	vld [tilespmem:$0x2F0];
	[tilespmem:$0xAA0] =	vst v18  }
0x68: {  	v24 =	vld [tilespmem:$0x380];
	[tilespmem:$0xAB0] =	vst v19  }
0x69: {  	v25 =	vld [tilespmem:$0x390];
	[tilespmem:$0xAC0] =	vst v20  }
0x6a: {  	v26 =	vld [tilespmem:$0x3A0];
	[tilespmem:$0xAD0] =	vst v21  }
0x6b: {  	v27 =	vld [tilespmem:$0x3B0];
	[tilespmem:$0xAE0] =	vst v22  }
0x6c: {  	v28 =	vld [tilespmem:$0x3C0];
	[tilespmem:$0xAF0] =	vst v23  }
0x6d: {  	v29 =	vld [tilespmem:$0x3D0];
	[tilespmem:$0xB80] =	vst v24  }
0x6e: {  	v30 =	vld [tilespmem:$0x3E0];
	[tilespmem:$0xB90] =	vst v25  }
0x6f: {  	v31 =	vld [tilespmem:$0x3F0];
	[tilespmem:$0xBA0] =	vst v26  }
0x70: {  	v32 =	vld [tilespmem:$0x480];
	[tilespmem:$0xBB0] =	vst v27  }
0x71: {  	v33 =	vld [tilespmem:$0x490];
	[tilespmem:$0xBC0] =	vst v28  }
0x72: {  	v34 =	vld [tilespmem:$0x4A0];
	[tilespmem:$0xBD0] =	vst v29  }
0x73: {  	v35 =	vld [tilespmem:$0x4B0];
	[tilespmem:$0xBE0] =	vst v30  }
0x74: {  	v36 =	vld [tilespmem:$0x4C0];
	[tilespmem:$0xBF0] =	vst v31  }
0x75: {  	v37 =	vld [tilespmem:$0x4D0];
	[tilespmem:$0xC80] =	vst v32  }
0x76: {  	v38 =	vld [tilespmem:$0x4E0];
	[tilespmem:$0xC90] =	vst v33  }
0x77: {  	v39 =	vld [tilespmem:$0x4F0];
	[tilespmem:$0xCA0] =	vst v34  }
0x78: {  	v40 =	vld [tilespmem:$0x580];
	[tilespmem:$0xCB0] =	vst v35  }
0x79: {  	v41 =	vld [tilespmem:$0x590];
	[tilespmem:$0xCC0] =	vst v36  }
0x7a: {  	v42 =	vld [tilespmem:$0x5A0];
	[tilespmem:$0xCD0] =	vst v37  }
0x7b: {  	v43 =	vld [tilespmem:$0x5B0];
	[tilespmem:$0xCE0] =	vst v38  }
0x7c: {  	v44 =	vld [tilespmem:$0x5C0];
	[tilespmem:$0xCF0] =	vst v39  }
0x7d: {  	v45 =	vld [tilespmem:$0x5D0];
	[tilespmem:$0xD80] =	vst v40  }
0x7e: {  	v46 =	vld [tilespmem:$0x5E0];
	[tilespmem:$0xD90] =	vst v41  }
0x7f: {  	v47 =	vld [tilespmem:$0x5F0];
	[tilespmem:$0xDA0] =	vst v42  }
0x80: {  	v48 =	vld [tilespmem:$0x680];
	[tilespmem:$0xDB0] =	vst v43  }
0x81: {  	v49 =	vld [tilespmem:$0x690];
	[tilespmem:$0xDC0] =	vst v44  }
0x82: {  	v50 =	vld [tilespmem:$0x6A0];
	[tilespmem:$0xDD0] =	vst v45  }
0x83: {  	v51 =	vld [tilespmem:$0x6B0];
	[tilespmem:$0xDE0] =	vst v46  }
0x84: {  	v52 =	vld [tilespmem:$0x6C0];
	[tilespmem:$0xDF0] =	vst v47  }
0x85: {  	[tilespmem:$0xE80] =	vst v48;
	v53 =	vld [tilespmem:$0x6D0]  }
0x86: {  	[tilespmem:$0xE90] =	vst v49;
	v54 =	vld [tilespmem:$0x6E0]  }
0x87: {  	[tilespmem:$0xEA0] =	vst v50;
	v55 =	vld [tilespmem:$0x6F0]  }
0x88: {  	[tilespmem:$0xEB0] =	vst v51;
	v56 =	vld [tilespmem:$0x780]  }
0x89: {  	[tilespmem:$0xEC0] =	vst v52;
	v57 =	vld [tilespmem:$0x790]  }
0x8a: {  	v58 =	vld [tilespmem:$0x7A0];
	[tilespmem:$0xED0] =	vst v53  }
0x8b: {  	v59 =	vld [tilespmem:$0x7B0];
	[tilespmem:$0xEE0] =	vst v54  }
0x8c: {  	v60 =	vld [tilespmem:$0x7C0];
	[tilespmem:$0xEF0] =	vst v55  }
0x8d: {  	v61 =	vld [tilespmem:$0x7D0];
	[tilespmem:$0xF80] =	vst v56  }
0x8e: {  	v62 =	vld [tilespmem:$0x7E0];
	[tilespmem:$0xF90] =	vst v57  }
0x8f: {  	v63 =	vld [tilespmem:$0x7F0];
	[tilespmem:$0xFA0] =	vst v58  }
0x90: {  	[tilespmem:$0xFB0] =	vst v59  }
0x91: {  	[tilespmem:$0xFC0] =	vst v60  }
0x92: {  	[tilespmem:$0xFD0] =	vst v61  }
0x93: {  	p0 =	sne.s32 s5, $0x1;
	[tilespmem:$0xFE0] =	vst v62  }
.Ltmp0:
0x94: {  	[tilespmem:$0xFF0] =	vst v63;
	(pc) =	sbr.rel @p0 .LBB2_1-.Ltmp0, $4  }
0x95: {  	[hbm4b:s4+s6] =	stream.strided.scatter [tilespmem:s9], [sflag:$0x1], $0x800, s7, s6, $0x38;
	[tilespmem:$0x1000] =	vst v63  }
0x96: {  	_ =	swait.ge [sflag:s8], $0x800  }
0x97: {  	[sflag:s8] =	ssyncset.done $0x0  }
0x98: {  	s5 =	sadd.s32 $0xFFFFFFFF, s5;
	[sflag:s8] =	ssyncadd.s32 $0xFFFFF800  }
0x99: {  	_ =	sfence.sel $0x180000  }
0x9a: {  	[bflag:$0x0] =	sbarrier.arrive $0xFFFF  }
0x9b: {  	p0 =	sne.s32 s1, $0x0;
	_ =	strace $0x90000047  }
0x9c: {  	s0 =	sadd.s32 @!p0 $0x100000, s0;
	[bflag:$0x2] =	sbarrier.arrive $0xFFFF  }
0x9d: {  	[sflag:s0] =	ssyncadd.tile.s32 @!p0 $0x1;
	_ =	shalt  }
.Lfunc_end2:
_tile_overlayer_lowered:
.L_overlay_start_2:
0x9e: {  	(tag) =	ssettag $0x2  }
0x9f: {  	s0 =	rddreg [dreg:$0x0];
	s2 =	stileid.u32  }
0xa0: {  	s1 =	rddreg [dreg:$0x1];
	p0 =	sne.s32 s2, $0x0  }
0xa1: {  	s3 =	rddreg [dreg:$0x2];
	[bflag:$0x3] =	sbarrier.arrive $0xFFFF;
	s2 =	simm.s32 @!p0 $0x1C01  }
0xa2: {  	[timem:s3], [sflag:s2] =	dma.local @!p0 [hbm:s0], s1  }
0xa3: {  	s0 =	simm.s32 @!p0 $0x1  }
0xa4: {  	_ =	swait.ge @!p0 [sflag:s0], s1  }
0xa5: {  	s1 =	ssub.s32 @!p0 $0x0, s1;
	[sflag:s0] =	ssyncset.done @!p0 $0x0  }
0xa6: {  	[sflag:s0] =	ssyncadd.s32 @!p0 s1  }
0xa7: {  	[bflag:$0x3] =	sbarrier.arrive $0xFFFF  }
0xa8: {  	_ =	shalt  }

</sc_bundles>
